<compile_context>
chip_gen: v7x
topology: tpu7x:2x2x1
jax: 0.10.2.dev20260603
libtpu: 0.0.44.dev20260713+nightly
codegen_flags: <defaults>
</compile_context>

<pallas_src>
import functools

import jax
import jax.numpy as jnp
from jax import lax
from jax.experimental import pallas as pl
from jax.experimental.pallas import tpu as pltpu
from jax.experimental.pallas import tpu_sc as plsc

N = 249216
C = 80
NX = 128
NY = 128
NBINS = NX * NY
NC = 2
NS = 16
NW = NC * NS
CHUNK = 128
NCH_HI = 61
W_HI = 27
ROWS_PER_TILE = NBINS // NS


CPP = 1
PROWS = CPP * CHUNK
NPH = 62


def _sc_body(
    x_hbm, ranks_hbm, out_hbm, xa, xb, ia, ib, sxa, sia, sxb, sib, ssa, ssb, grid
):
    c = lax.axis_index("c")
    s = lax.axis_index("s")
    w = c * NS + s
    nch = jnp.where(w < W_HI, NCH_HI, NCH_HI - 1)
    cbase = jnp.where(w < W_HI, w * NCH_HI, w * (NCH_HI - 1) + W_HI)
    base = cbase * CHUNK

    def start_load(p, xbuf, ibuf, sx, si):
        pltpu.async_copy(x_hbm.at[pl.ds(base + p * PROWS, PROWS)], xbuf, sx)
        pltpu.async_copy(ranks_hbm.at[pl.ds(cbase + p * CPP, CPP)], ibuf, si)

    def wait_load(p, xbuf, ibuf, sx, si):
        pltpu.make_async_copy(x_hbm.at[pl.ds(base + p * PROWS, PROWS)], xbuf, sx).wait()
        pltpu.make_async_copy(ranks_hbm.at[pl.ds(cbase + p * CPP, CPP)], ibuf, si).wait()

    def start_scatter(xbuf, ibuf, ss):
        pltpu.async_copy(xbuf, grid.at[ibuf.at[0]], ss, add=True)

    def wait_scatter(xbuf, ibuf, ss):
        pltpu.make_async_copy(xbuf, grid.at[ibuf.at[0]], ss).wait()

    z16 = jnp.zeros((16,), jnp.float32)

    def zrow(i):
        for j in range(C // 16):
            xa[i, pl.ds(j * 16, 16)] = z16
        return 0

    lax.fori_loop(0, CHUNK, lambda i, _: zrow(i), 0)
    for i in range(ROWS_PER_TILE // CHUNK):
        pltpu.sync_copy(
            xa.at[pl.ds(0, CHUNK)],
            grid.at[pl.ds(s * ROWS_PER_TILE + i * CHUNK, CHUNK)],
        )
    plsc.subcore_barrier()

    start_load(0, xa, ia, sxa, sia)

    def pair_body(q, _):
        pa = 2 * q
        pb = 2 * q + 1

        @pl.when((pb - 2 >= 0) & (pb - 2 < nch))
        def _():
            wait_scatter(xb, ib, ssb)

        @pl.when(pb < nch)
        def _():
            start_load(pb, xb, ib, sxb, sib)

        @pl.when(pa < nch)
        def _():
            wait_load(pa, xa, ia, sxa, sia)
            start_scatter(xa, ia, ssa)

        @pl.when(pb < nch)
        def _():
            wait_load(pb, xb, ib, sxb, sib)
            start_scatter(xb, ib, ssb)

        @pl.when(pa + 2 < nch)
        def _():
            wait_scatter(xa, ia, ssa)
            start_load(pa + 2, xa, ia, sxa, sia)

        return 0

    lax.fori_loop(0, NPH // 2, pair_body, 0)
    wait_scatter(xa, ia, ssa)
    plsc.subcore_barrier()

    for i in range(ROWS_PER_TILE // CHUNK):
        r = s * ROWS_PER_TILE + i * CHUNK
        pltpu.sync_copy(
            grid.at[pl.ds(r, CHUNK)],
            out_hbm.at[pl.ds(c * NBINS + r, CHUNK)],
        )


_sc_scatter = functools.partial(
    pl.kernel,
    out_type=jax.ShapeDtypeStruct((NC * NBINS, C), jnp.float32),
    mesh=plsc.VectorSubcoreMesh(core_axis_name="c", subcore_axis_name="s"),
    compiler_params=pltpu.CompilerParams(use_tc_tiling_on_sc=False),
    scratch_types=[
        pltpu.VMEM((PROWS, C), jnp.float32),
        pltpu.VMEM((PROWS, C), jnp.float32),
        pltpu.VMEM((CPP, CHUNK), jnp.int32),
        pltpu.VMEM((CPP, CHUNK), jnp.int32),
        pltpu.SemaphoreType.DMA,
        pltpu.SemaphoreType.DMA,
        pltpu.SemaphoreType.DMA,
        pltpu.SemaphoreType.DMA,
        pltpu.SemaphoreType.DMA,
        pltpu.SemaphoreType.DMA,
        pltpu.VMEM_SHARED((NBINS, C), jnp.float32),
    ],
)(_sc_body)


NCHUNKS = N // CHUNK
_RBLK = 128
_RGRID = -(-NCHUNKS // _RBLK)


def _ranks_body(g_ref, o_ref):
    gf = g_ref[...].astype(jnp.float32)
    ii = lax.broadcasted_iota(jnp.int32, (2 * CHUNK, CHUNK), 0)
    jj = lax.broadcasted_iota(jnp.int32, (2 * CHUNK, CHUNK), 1)
    sel = jnp.where(
        ii == 2 * jj,
        jnp.float32(NY),
        jnp.where(ii == 2 * jj + 1, jnp.float32(1), jnp.float32(0)),
    )
    r = lax.dot_general(
        gf, sel, (((1,), (0,)), ((), ())), preferred_element_type=jnp.float32
    )
    o_ref[...] = r.astype(jnp.int32)


def _ranks(geom2):
    return pl.pallas_call(
        _ranks_body,
        grid=(_RGRID,),
        in_specs=[pl.BlockSpec((_RBLK, 2 * CHUNK), lambda i: (i, 0))],
        out_specs=pl.BlockSpec((_RBLK, CHUNK), lambda i: (i, 0)),
        out_shape=jax.ShapeDtypeStruct((NCHUNKS, CHUNK), jnp.int32),
    )(geom2)


_MBLK = 1024


def _merge_body(p_ref, o_ref):
    s = p_ref[0] + p_ref[1]
    eye = jnp.eye(_MBLK, dtype=jnp.float32)
    o_ref[...] = lax.dot_general(
        s, eye, (((0,), (0,)), ((), ())), preferred_element_type=jnp.float32
    )


def _merge(partials):
    return pl.pallas_call(
        _merge_body,
        grid=(NBINS // _MBLK,),
        in_specs=[pl.BlockSpec((NC, _MBLK, C), lambda i: (0, i, 0))],
        out_specs=pl.BlockSpec((C, _MBLK), lambda i: (0, i)),
        out_shape=jax.ShapeDtypeStruct((C, NBINS), jnp.float32),
    )(partials.reshape(NC, NBINS, C))


@jax.jit
def kernel(x, geom_xy):
    ranks = (geom_xy * jnp.array([NY, 1], jnp.int32)).sum(axis=1)
    ranks = ranks.reshape(NCHUNKS, CHUNK)
    partials = _sc_scatter(x, ranks)
    merged = _merge(partials)
    return merged.reshape(1, C, NX, NY)

# --- scband reference (transcript-rebuilt; emitter-appended) ---
"""Pipeline reference for scband-base-transform-17549236372294 (READ-ONLY COPY).

The authoritative reference and input builder live on the scoring server;
editing this copy changes nothing except your own understanding.
"""

import jax, jax.numpy as jnp
import numpy as np

# BEVFusion-style camera-to-BEV pooling (bev_pool core of BaseTransform).
# B=1 batch, N=6 cameras, D=59 depth bins, feature map 16x44, C=80 channels.
# BEV grid: nx=128, ny=128, nz=1 (xbound/ybound [-51.2,51.2,0.8], zbound [-10,10,20]).
B = 1
N_CAM = 6
D = 59
H = 16
W = 44
C = 80
NX, NY, NZ = 128, 128, 1
NPRIME = B * N_CAM * D * H * W  # 249216


def setup_inputs(seed: int = 0) -> dict:
    key = jax.random.key(seed)
    k1, k2 = jax.random.split(key)
    # Flattened camera frustum features (Nprime, C), already filtered to in-bound voxels.
    x = jax.random.normal(k1, (NPRIME, C), dtype=jnp.float32)
    # Voxelized geometry indices (x_idx, y_idx) into the 128x128 BEV grid.
    # z index and batch index are 0 everywhere (nz=1, B=1), matching the single-z BEV setup.
    geom_xy = jax.random.randint(k2, (NPRIME, 2), 0, NX, dtype=jnp.int32)
    return {"x": x, "geom_xy": geom_xy}


def reference(x, geom_xy):
    # rank = x_idx * (NY * NZ * B) + y_idx * (NZ * B) + z_idx * B + batch_ix
    # z_idx = 0 and batch_ix = 0 here.
    ranks = geom_xy[:, 0] * (NY * NZ * B) + geom_xy[:, 1] * (NZ * B)
    # bev_pool: sum all frustum features falling into the same BEV voxel
    # (equivalent to the sorted-rank cumsum trick / QuickCumsum in the original).
    grid = jax.ops.segment_sum(x, ranks, num_segments=NX * NY * NZ * B)
    # (NX*NY*NZ*B, C) -> (B, C, NZ, NX, NY)
    grid = grid.reshape(NX, NY, NZ, B, C)
    grid = jnp.transpose(grid, (3, 4, 2, 0, 1))  # (B, C, NZ, NX, NY)
    # final = torch.cat(x.unbind(dim=2), 1): collapse z into channels -> (B, C*NZ, NX, NY)
    final = grid.reshape(B, C * NZ, NX, NY)
    return final

if __name__ == "__main__":
    import jax
    _d = setup_inputs()
    print(jax.jit(kernel)(*tuple(_d.values())))

</pallas_src>

<mosaic_0001>
#map = affine_map<(d0, d1) -> (0, 0)>
module attributes {stable_mosaic.version = 14 : i64} {
  func.func @_sc_body(%arg0: i32, %arg1: i32, %arg2: memref<249216x80xf32, #tpu.memory_space<hbm>>, %arg3: memref<1947x128xi32, #tpu.memory_space<hbm>>, %arg4: memref<32768x80xf32, #tpu.memory_space<hbm>>, %arg5: memref<128x80xf32, #tpu.memory_space<vmem>>, %arg6: memref<128x80xf32, #tpu.memory_space<vmem>>, %arg7: memref<1x128xi32, #tpu.memory_space<vmem>>, %arg8: memref<1x128xi32, #tpu.memory_space<vmem>>, %arg9: memref<!tpu.dma_semaphore, #tpu.memory_space<semaphore_mem>>, %arg10: memref<!tpu.dma_semaphore, #tpu.memory_space<semaphore_mem>>, %arg11: memref<!tpu.dma_semaphore, #tpu.memory_space<semaphore_mem>>, %arg12: memref<!tpu.dma_semaphore, #tpu.memory_space<semaphore_mem>>, %arg13: memref<!tpu.dma_semaphore, #tpu.memory_space<semaphore_mem>>, %arg14: memref<!tpu.dma_semaphore, #tpu.memory_space<semaphore_mem>>, %arg15: memref<16384x80xf32, #tpu.memory_space<vmem_shared>>) attributes {dimension_semantics = [#tpu.dimension_semantics<core_parallel>, #tpu.dimension_semantics<subcore_parallel>], iteration_bounds = array<i64: 2, 16>, scalar_prefetch = 0 : i64, scratch_operands = 11 : i64, tpu.core_type = #tpu.core_type<sc_vector_subcore>, window_params = [{transform_indices = #map}, {transform_indices = #map}, {transform_indices = #map}]} {
    %mul3A = arith.constant 16 : i32
    %mul3A_0 = arith.muli %arg0, %mul3A : i32
    %add3A = arith.addi %mul3A_0, %arg1 : i32
    %lt3A = arith.constant 27 : i32
    %lt3A_1 = arith.cmpi slt, %add3A, %lt3A : i32
    %jit3A = arith.constant 61 : i32
    %jit3A_2 = arith.constant 60 : i32
    %select_n3A = arith.select %lt3A_1, %jit3A, %jit3A_2 : i32
    %lt3A_3 = arith.constant 27 : i32
    %lt3A_4 = arith.cmpi slt, %add3A, %lt3A_3 : i32
    %mul3A_5 = arith.constant 61 : i32
    %mul3A_6 = arith.muli %add3A, %mul3A_5 : i32
    %mul3A_7 = arith.constant 60 : i32
    %mul3A_8 = arith.muli %add3A, %mul3A_7 : i32
    %add3A_9 = arith.constant 27 : i32
    %add3A_10 = arith.addi %mul3A_8, %add3A_9 : i32
    %select_n3A_11 = arith.select %lt3A_4, %mul3A_6, %add3A_10 : i32
    %mul3A_12 = arith.constant 128 : i32
    %mul3A_13 = arith.muli %select_n3A_11, %mul3A_12 : i32
    %broadcast_in_dim3A = arith.constant 0.000000e+00 : f32
    %broadcast_in_dim3A_14 = vector.broadcast %broadcast_in_dim3A : f32 to vector<16xf32>
    %scan3A = arith.constant 0 : i32
    %scan3A_15 = arith.constant 0 : i32
    %scan3A_16 = arith.constant 128 : i32
    %scan3A_17 = arith.addi %scan3A_15, %scan3A_16 : i32
    %scan3A_18 = arith.constant 1 : i32
    %scan3A_19 = scf.for %scan3A_134 = %scan3A_15 to %scan3A_17 step %scan3A_18 iter_args(%scan3A_135 = %scan3A) -> (i32)  : i32 {
      %swap3A = arith.index_cast %scan3A_134 : i32 to index
      %swap3A_136 = arith.constant 0 : index
      %swap3A_137 = tpu.vector_load %arg5[%swap3A, %swap3A_136] {strides = array<i32>} : memref<128x80xf32, #tpu.memory_space<vmem>>, vector<1x16xf32>,
      %swap3A_138 = vector.shape_cast %swap3A_137 : vector<1x16xf32> to vector<16xf32>
      %swap3A_139 = vector.shape_cast %broadcast_in_dim3A_14 : vector<16xf32> to vector<1x16xf32>
      tpu.vector_store %arg5[%swap3A, %swap3A_136], %swap3A_139 {strides = array<i32>} : memref<128x80xf32, #tpu.memory_space<vmem>>, vector<1x16xf32>,
      %swap3A_140 = arith.index_cast %scan3A_134 : i32 to index
      %swap3A_141 = arith.constant 16 : index
      %swap3A_142 = tpu.vector_load %arg5[%swap3A_140, %swap3A_141] {strides = array<i32>} : memref<128x80xf32, #tpu.memory_space<vmem>>, vector<1x16xf32>,
      %swap3A_143 = vector.shape_cast %swap3A_142 : vector<1x16xf32> to vector<16xf32>
      %swap3A_144 = vector.shape_cast %broadcast_in_dim3A_14 : vector<16xf32> to vector<1x16xf32>
      tpu.vector_store %arg5[%swap3A_140, %swap3A_141], %swap3A_144 {strides = array<i32>} : memref<128x80xf32, #tpu.memory_space<vmem>>, vector<1x16xf32>,
      %swap3A_145 = arith.index_cast %scan3A_134 : i32 to index
      %swap3A_146 = arith.constant 32 : index
      %swap3A_147 = tpu.vector_load %arg5[%swap3A_145, %swap3A_146] {strides = array<i32>} : memref<128x80xf32, #tpu.memory_space<vmem>>, vector<1x16xf32>,
      %swap3A_148 = vector.shape_cast %swap3A_147 : vector<1x16xf32> to vector<16xf32>
      %swap3A_149 = vector.shape_cast %broadcast_in_dim3A_14 : vector<16xf32> to vector<1x16xf32>
      tpu.vector_store %arg5[%swap3A_145, %swap3A_146], %swap3A_149 {strides = array<i32>} : memref<128x80xf32, #tpu.memory_space<vmem>>, vector<1x16xf32>,
      %swap3A_150 = arith.index_cast %scan3A_134 : i32 to index
      %swap3A_151 = arith.constant 48 : index
      %swap3A_152 = tpu.vector_load %arg5[%swap3A_150, %swap3A_151] {strides = array<i32>} : memref<128x80xf32, #tpu.memory_space<vmem>>, vector<1x16xf32>,
      %swap3A_153 = vector.shape_cast %swap3A_152 : vector<1x16xf32> to vector<16xf32>
      %swap3A_154 = vector.shape_cast %broadcast_in_dim3A_14 : vector<16xf32> to vector<1x16xf32>
      tpu.vector_store %arg5[%swap3A_150, %swap3A_151], %swap3A_154 {strides = array<i32>} : memref<128x80xf32, #tpu.memory_space<vmem>>, vector<1x16xf32>,
      %swap3A_155 = arith.index_cast %scan3A_134 : i32 to index
      %swap3A_156 = arith.constant 64 : index
      %swap3A_157 = tpu.vector_load %arg5[%swap3A_155, %swap3A_156] {strides = array<i32>} : memref<128x80xf32, #tpu.memory_space<vmem>>, vector<1x16xf32>,
      %swap3A_158 = vector.shape_cast %swap3A_157 : vector<1x16xf32> to vector<16xf32>
      %swap3A_159 = vector.shape_cast %broadcast_in_dim3A_14 : vector<16xf32> to vector<1x16xf32>
      tpu.vector_store %arg5[%swap3A_155, %swap3A_156], %swap3A_159 {strides = array<i32>} : memref<128x80xf32, #tpu.memory_space<vmem>>, vector<1x16xf32>,
      %scan3A_160 = arith.constant 0 : i32
      scf.yield %scan3A_160 : i32
    }
    %scan3A_20 = arith.constant 128 : i32
    %mul3A_21 = arith.constant 1024 : i32
    %mul3A_22 = arith.muli %arg1, %mul3A_21 : i32
    %add3A_23 = arith.constant 0 : i32
    %add3A_24 = arith.addi %mul3A_22, %add3A_23 : i32
    "tpu.region"() ({
      %run_scoped3A = tpu.sem_alloc : memref<!tpu.dma_semaphore, #tpu.memory_space<semaphore_mem>>
      %dma_start3A_134 = arith.constant 0 : i32
      %dma_start3A_135 = arith.constant 0 : i32
      %dma_start3A_136 = tpu.memref_slice %arg5[%dma_start3A_134, %dma_start3A_135] : memref<128x80xf32, #tpu.memory_space<vmem>> -> memref<128x80xf32, #tpu.memory_space<vmem>>
      %dma_start3A_137 = arith.constant 0 : i32
      %dma_start3A_138 = tpu.memref_slice %arg15[%add3A_24, %dma_start3A_137] : memref<16384x80xf32, #tpu.memory_space<vmem_shared>> -> memref<128x80xf32, #tpu.memory_space<vmem_shared>>
      %dma_start3A_139 = arith.constant 0 : i32
      %dma_start3A_140 = tpu.memref_slice %arg15[%add3A_24, %dma_start3A_139] : memref<16384x80xf32, #tpu.memory_space<vmem_shared>> -> memref<128x80xf32, #tpu.memory_space<vmem_shared>>
      %dma_start3A_141 = arith.constant 0 : i32
      %dma_start3A_142 = arith.constant 0 : i32
      %dma_start3A_143 = tpu.memref_slice %arg5[%dma_start3A_141, %dma_start3A_142] : memref<128x80xf32, #tpu.memory_space<vmem>> -> memref<128x80xf32, #tpu.memory_space<vmem>>
      tpu.enqueue_dma source(%dma_start3A_143 : memref<128x80xf32, #tpu.memory_space<vmem>>) target(%dma_start3A_140 : memref<128x80xf32, #tpu.memory_space<vmem_shared>>) target_semaphore(%run_scoped3A : memref<!tpu.dma_semaphore, #tpu.memory_space<semaphore_mem>>)
      %dma_wait3A_144 = arith.constant 0 : i32
      %dma_wait3A_145 = arith.constant 0 : i32
      %dma_wait3A_146 = tpu.memref_slice %arg5[%dma_wait3A_144, %dma_wait3A_145] : memref<128x80xf32, #tpu.memory_space<vmem>> -> memref<128x80xf32, #tpu.memory_space<vmem>>
      %dma_wait3A_147 = arith.constant 0 : i32
      %dma_wait3A_148 = tpu.memref_slice %arg15[%add3A_24, %dma_wait3A_147] : memref<16384x80xf32, #tpu.memory_space<vmem_shared>> -> memref<128x80xf32, #tpu.memory_space<vmem_shared>>
      %dma_wait3A_149 = arith.constant 0 : i32
      %dma_wait3A_150 = tpu.memref_slice %arg15[%add3A_24, %dma_wait3A_149] : memref<16384x80xf32, #tpu.memory_space<vmem_shared>> -> memref<128x80xf32, #tpu.memory_space<vmem_shared>>
      %dma_wait3A_151 = arith.constant 0 : i32
      %dma_wait3A_152 = arith.constant 0 : i32
      %dma_wait3A_153 = tpu.memref_slice %arg5[%dma_wait3A_151, %dma_wait3A_152] : memref<128x80xf32, #tpu.memory_space<vmem>> -> memref<128x80xf32, #tpu.memory_space<vmem>>
      tpu.wait_dma2 semaphore(%run_scoped3A : memref<!tpu.dma_semaphore, #tpu.memory_space<semaphore_mem>>) src(%dma_wait3A_153 : memref<128x80xf32, #tpu.memory_space<vmem>>) dst(%dma_wait3A_150 : memref<128x80xf32, #tpu.memory_space<vmem_shared>>)
      tpu.yield
    }) : () -> ()
    %mul3A_25 = arith.constant 1024 : i32
    %mul3A_26 = arith.muli %arg1, %mul3A_25 : i32
    %add3A_27 = arith.constant 128 : i32
    %add3A_28 = arith.addi %mul3A_26, %add3A_27 : i32
    "tpu.region"() ({
      %run_scoped3A = tpu.sem_alloc : memref<!tpu.dma_semaphore, #tpu.memory_space<semaphore_mem>>
      %dma_start3A_134 = arith.constant 0 : i32
      %dma_start3A_135 = arith.constant 0 : i32
      %dma_start3A_136 = tpu.memref_slice %arg5[%dma_start3A_134, %dma_start3A_135] : memref<128x80xf32, #tpu.memory_space<vmem>> -> memref<128x80xf32, #tpu.memory_space<vmem>>
      %dma_start3A_137 = arith.constant 0 : i32
      %dma_start3A_138 = tpu.memref_slice %arg15[%add3A_28, %dma_start3A_137] : memref<16384x80xf32, #tpu.memory_space<vmem_shared>> -> memref<128x80xf32, #tpu.memory_space<vmem_shared>>
      %dma_start3A_139 = arith.constant 0 : i32
      %dma_start3A_140 = tpu.memref_slice %arg15[%add3A_28, %dma_start3A_139] : memref<16384x80xf32, #tpu.memory_space<vmem_shared>> -> memref<128x80xf32, #tpu.memory_space<vmem_shared>>
      %dma_start3A_141 = arith.constant 0 : i32
      %dma_start3A_142 = arith.constant 0 : i32
      %dma_start3A_143 = tpu.memref_slice %arg5[%dma_start3A_141, %dma_start3A_142] : memref<128x80xf32, #tpu.memory_space<vmem>> -> memref<128x80xf32, #tpu.memory_space<vmem>>
      tpu.enqueue_dma source(%dma_start3A_143 : memref<128x80xf32, #tpu.memory_space<vmem>>) target(%dma_start3A_140 : memref<128x80xf32, #tpu.memory_space<vmem_shared>>) target_semaphore(%run_scoped3A : memref<!tpu.dma_semaphore, #tpu.memory_space<semaphore_mem>>)
      %dma_wait3A_144 = arith.constant 0 : i32
      %dma_wait3A_145 = arith.constant 0 : i32
      %dma_wait3A_146 = tpu.memref_slice %arg5[%dma_wait3A_144, %dma_wait3A_145] : memref<128x80xf32, #tpu.memory_space<vmem>> -> memref<128x80xf32, #tpu.memory_space<vmem>>
      %dma_wait3A_147 = arith.constant 0 : i32
      %dma_wait3A_148 = tpu.memref_slice %arg15[%add3A_28, %dma_wait3A_147] : memref<16384x80xf32, #tpu.memory_space<vmem_shared>> -> memref<128x80xf32, #tpu.memory_space<vmem_shared>>
      %dma_wait3A_149 = arith.constant 0 : i32
      %dma_wait3A_150 = tpu.memref_slice %arg15[%add3A_28, %dma_wait3A_149] : memref<16384x80xf32, #tpu.memory_space<vmem_shared>> -> memref<128x80xf32, #tpu.memory_space<vmem_shared>>
      %dma_wait3A_151 = arith.constant 0 : i32
      %dma_wait3A_152 = arith.constant 0 : i32
      %dma_wait3A_153 = tpu.memref_slice %arg5[%dma_wait3A_151, %dma_wait3A_152] : memref<128x80xf32, #tpu.memory_space<vmem>> -> memref<128x80xf32, #tpu.memory_space<vmem>>
      tpu.wait_dma2 semaphore(%run_scoped3A : memref<!tpu.dma_semaphore, #tpu.memory_space<semaphore_mem>>) src(%dma_wait3A_153 : memref<128x80xf32, #tpu.memory_space<vmem>>) dst(%dma_wait3A_150 : memref<128x80xf32, #tpu.memory_space<vmem_shared>>)
      tpu.yield
    }) : () -> ()
    %mul3A_29 = arith.constant 1024 : i32
    %mul3A_30 = arith.muli %arg1, %mul3A_29 : i32
    %add3A_31 = arith.constant 256 : i32
    %add3A_32 = arith.addi %mul3A_30, %add3A_31 : i32
    "tpu.region"() ({
      %run_scoped3A = tpu.sem_alloc : memref<!tpu.dma_semaphore, #tpu.memory_space<semaphore_mem>>
      %dma_start3A_134 = arith.constant 0 : i32
      %dma_start3A_135 = arith.constant 0 : i32
      %dma_start3A_136 = tpu.memref_slice %arg5[%dma_start3A_134, %dma_start3A_135] : memref<128x80xf32, #tpu.memory_space<vmem>> -> memref<128x80xf32, #tpu.memory_space<vmem>>
      %dma_start3A_137 = arith.constant 0 : i32
      %dma_start3A_138 = tpu.memref_slice %arg15[%add3A_32, %dma_start3A_137] : memref<16384x80xf32, #tpu.memory_space<vmem_shared>> -> memref<128x80xf32, #tpu.memory_space<vmem_shared>>
      %dma_start3A_139 = arith.constant 0 : i32
      %dma_start3A_140 = tpu.memref_slice %arg15[%add3A_32, %dma_start3A_139] : memref<16384x80xf32, #tpu.memory_space<vmem_shared>> -> memref<128x80xf32, #tpu.memory_space<vmem_shared>>
      %dma_start3A_141 = arith.constant 0 : i32
      %dma_start3A_142 = arith.constant 0 : i32
      %dma_start3A_143 = tpu.memref_slice %arg5[%dma_start3A_141, %dma_start3A_142] : memref<128x80xf32, #tpu.memory_space<vmem>> -> memref<128x80xf32, #tpu.memory_space<vmem>>
      tpu.enqueue_dma source(%dma_start3A_143 : memref<128x80xf32, #tpu.memory_space<vmem>>) target(%dma_start3A_140 : memref<128x80xf32, #tpu.memory_space<vmem_shared>>) target_semaphore(%run_scoped3A : memref<!tpu.dma_semaphore, #tpu.memory_space<semaphore_mem>>)
      %dma_wait3A_144 = arith.constant 0 : i32
      %dma_wait3A_145 = arith.constant 0 : i32
      %dma_wait3A_146 = tpu.memref_slice %arg5[%dma_wait3A_144, %dma_wait3A_145] : memref<128x80xf32, #tpu.memory_space<vmem>> -> memref<128x80xf32, #tpu.memory_space<vmem>>
      %dma_wait3A_147 = arith.constant 0 : i32
      %dma_wait3A_148 = tpu.memref_slice %arg15[%add3A_32, %dma_wait3A_147] : memref<16384x80xf32, #tpu.memory_space<vmem_shared>> -> memref<128x80xf32, #tpu.memory_space<vmem_shared>>
      %dma_wait3A_149 = arith.constant 0 : i32
      %dma_wait3A_150 = tpu.memref_slice %arg15[%add3A_32, %dma_wait3A_149] : memref<16384x80xf32, #tpu.memory_space<vmem_shared>> -> memref<128x80xf32, #tpu.memory_space<vmem_shared>>
      %dma_wait3A_151 = arith.constant 0 : i32
      %dma_wait3A_152 = arith.constant 0 : i32
      %dma_wait3A_153 = tpu.memref_slice %arg5[%dma_wait3A_151, %dma_wait3A_152] : memref<128x80xf32, #tpu.memory_space<vmem>> -> memref<128x80xf32, #tpu.memory_space<vmem>>
      tpu.wait_dma2 semaphore(%run_scoped3A : memref<!tpu.dma_semaphore, #tpu.memory_space<semaphore_mem>>) src(%dma_wait3A_153 : memref<128x80xf32, #tpu.memory_space<vmem>>) dst(%dma_wait3A_150 : memref<128x80xf32, #tpu.memory_space<vmem_shared>>)
      tpu.yield
    }) : () -> ()
    %mul3A_33 = arith.constant 1024 : i32
    %mul3A_34 = arith.muli %arg1, %mul3A_33 : i32
    %add3A_35 = arith.constant 384 : i32
    %add3A_36 = arith.addi %mul3A_34, %add3A_35 : i32
    "tpu.region"() ({
      %run_scoped3A = tpu.sem_alloc : memref<!tpu.dma_semaphore, #tpu.memory_space<semaphore_mem>>
      %dma_start3A_134 = arith.constant 0 : i32
      %dma_start3A_135 = arith.constant 0 : i32
      %dma_start3A_136 = tpu.memref_slice %arg5[%dma_start3A_134, %dma_start3A_135] : memref<128x80xf32, #tpu.memory_space<vmem>> -> memref<128x80xf32, #tpu.memory_space<vmem>>
      %dma_start3A_137 = arith.constant 0 : i32
      %dma_start3A_138 = tpu.memref_slice %arg15[%add3A_36, %dma_start3A_137] : memref<16384x80xf32, #tpu.memory_space<vmem_shared>> -> memref<128x80xf32, #tpu.memory_space<vmem_shared>>
      %dma_start3A_139 = arith.constant 0 : i32
      %dma_start3A_140 = tpu.memref_slice %arg15[%add3A_36, %dma_start3A_139] : memref<16384x80xf32, #tpu.memory_space<vmem_shared>> -> memref<128x80xf32, #tpu.memory_space<vmem_shared>>
      %dma_start3A_141 = arith.constant 0 : i32
      %dma_start3A_142 = arith.constant 0 : i32
      %dma_start3A_143 = tpu.memref_slice %arg5[%dma_start3A_141, %dma_start3A_142] : memref<128x80xf32, #tpu.memory_space<vmem>> -> memref<128x80xf32, #tpu.memory_space<vmem>>
      tpu.enqueue_dma source(%dma_start3A_143 : memref<128x80xf32, #tpu.memory_space<vmem>>) target(%dma_start3A_140 : memref<128x80xf32, #tpu.memory_space<vmem_shared>>) target_semaphore(%run_scoped3A : memref<!tpu.dma_semaphore, #tpu.memory_space<semaphore_mem>>)
      %dma_wait3A_144 = arith.constant 0 : i32
      %dma_wait3A_145 = arith.constant 0 : i32
      %dma_wait3A_146 = tpu.memref_slice %arg5[%dma_wait3A_144, %dma_wait3A_145] : memref<128x80xf32, #tpu.memory_space<vmem>> -> memref<128x80xf32, #tpu.memory_space<vmem>>
      %dma_wait3A_147 = arith.constant 0 : i32
      %dma_wait3A_148 = tpu.memref_slice %arg15[%add3A_36, %dma_wait3A_147] : memref<16384x80xf32, #tpu.memory_space<vmem_shared>> -> memref<128x80xf32, #tpu.memory_space<vmem_shared>>
      %dma_wait3A_149 = arith.constant 0 : i32
      %dma_wait3A_150 = tpu.memref_slice %arg15[%add3A_36, %dma_wait3A_149] : memref<16384x80xf32, #tpu.memory_space<vmem_shared>> -> memref<128x80xf32, #tpu.memory_space<vmem_shared>>
      %dma_wait3A_151 = arith.constant 0 : i32
      %dma_wait3A_152 = arith.constant 0 : i32
      %dma_wait3A_153 = tpu.memref_slice %arg5[%dma_wait3A_151, %dma_wait3A_152] : memref<128x80xf32, #tpu.memory_space<vmem>> -> memref<128x80xf32, #tpu.memory_space<vmem>>
      tpu.wait_dma2 semaphore(%run_scoped3A : memref<!tpu.dma_semaphore, #tpu.memory_space<semaphore_mem>>) src(%dma_wait3A_153 : memref<128x80xf32, #tpu.memory_space<vmem>>) dst(%dma_wait3A_150 : memref<128x80xf32, #tpu.memory_space<vmem_shared>>)
      tpu.yield
    }) : () -> ()
    %mul3A_37 = arith.constant 1024 : i32
    %mul3A_38 = arith.muli %arg1, %mul3A_37 : i32
    %add3A_39 = arith.constant 512 : i32
    %add3A_40 = arith.addi %mul3A_38, %add3A_39 : i32
    "tpu.region"() ({
      %run_scoped3A = tpu.sem_alloc : memref<!tpu.dma_semaphore, #tpu.memory_space<semaphore_mem>>
      %dma_start3A_134 = arith.constant 0 : i32
      %dma_start3A_135 = arith.constant 0 : i32
      %dma_start3A_136 = tpu.memref_slice %arg5[%dma_start3A_134, %dma_start3A_135] : memref<128x80xf32, #tpu.memory_space<vmem>> -> memref<128x80xf32, #tpu.memory_space<vmem>>
      %dma_start3A_137 = arith.constant 0 : i32
      %dma_start3A_138 = tpu.memref_slice %arg15[%add3A_40, %dma_start3A_137] : memref<16384x80xf32, #tpu.memory_space<vmem_shared>> -> memref<128x80xf32, #tpu.memory_space<vmem_shared>>
      %dma_start3A_139 = arith.constant 0 : i32
      %dma_start3A_140 = tpu.memref_slice %arg15[%add3A_40, %dma_start3A_139] : memref<16384x80xf32, #tpu.memory_space<vmem_shared>> -> memref<128x80xf32, #tpu.memory_space<vmem_shared>>
      %dma_start3A_141 = arith.constant 0 : i32
      %dma_start3A_142 = arith.constant 0 : i32
      %dma_start3A_143 = tpu.memref_slice %arg5[%dma_start3A_141, %dma_start3A_142] : memref<128x80xf32, #tpu.memory_space<vmem>> -> memref<128x80xf32, #tpu.memory_space<vmem>>
      tpu.enqueue_dma source(%dma_start3A_143 : memref<128x80xf32, #tpu.memory_space<vmem>>) target(%dma_start3A_140 : memref<128x80xf32, #tpu.memory_space<vmem_shared>>) target_semaphore(%run_scoped3A : memref<!tpu.dma_semaphore, #tpu.memory_space<semaphore_mem>>)
      %dma_wait3A_144 = arith.constant 0 : i32
      %dma_wait3A_145 = arith.constant 0 : i32
      %dma_wait3A_146 = tpu.memref_slice %arg5[%dma_wait3A_144, %dma_wait3A_145] : memref<128x80xf32, #tpu.memory_space<vmem>> -> memref<128x80xf32, #tpu.memory_space<vmem>>
      %dma_wait3A_147 = arith.constant 0 : i32
      %dma_wait3A_148 = tpu.memref_slice %arg15[%add3A_40, %dma_wait3A_147] : memref<16384x80xf32, #tpu.memory_space<vmem_shared>> -> memref<128x80xf32, #tpu.memory_space<vmem_shared>>
      %dma_wait3A_149 = arith.constant 0 : i32
      %dma_wait3A_150 = tpu.memref_slice %arg15[%add3A_40, %dma_wait3A_149] : memref<16384x80xf32, #tpu.memory_space<vmem_shared>> -> memref<128x80xf32, #tpu.memory_space<vmem_shared>>
      %dma_wait3A_151 = arith.constant 0 : i32
      %dma_wait3A_152 = arith.constant 0 : i32
      %dma_wait3A_153 = tpu.memref_slice %arg5[%dma_wait3A_151, %dma_wait3A_152] : memref<128x80xf32, #tpu.memory_space<vmem>> -> memref<128x80xf32, #tpu.memory_space<vmem>>
      tpu.wait_dma2 semaphore(%run_scoped3A : memref<!tpu.dma_semaphore, #tpu.memory_space<semaphore_mem>>) src(%dma_wait3A_153 : memref<128x80xf32, #tpu.memory_space<vmem>>) dst(%dma_wait3A_150 : memref<128x80xf32, #tpu.memory_space<vmem_shared>>)
      tpu.yield
    }) : () -> ()
    %mul3A_41 = arith.constant 1024 : i32
    %mul3A_42 = arith.muli %arg1, %mul3A_41 : i32
    %add3A_43 = arith.constant 640 : i32
    %add3A_44 = arith.addi %mul3A_42, %add3A_43 : i32
    "tpu.region"() ({
      %run_scoped3A = tpu.sem_alloc : memref<!tpu.dma_semaphore, #tpu.memory_space<semaphore_mem>>
      %dma_start3A_134 = arith.constant 0 : i32
      %dma_start3A_135 = arith.constant 0 : i32
      %dma_start3A_136 = tpu.memref_slice %arg5[%dma_start3A_134, %dma_start3A_135] : memref<128x80xf32, #tpu.memory_space<vmem>> -> memref<128x80xf32, #tpu.memory_space<vmem>>
      %dma_start3A_137 = arith.constant 0 : i32
      %dma_start3A_138 = tpu.memref_slice %arg15[%add3A_44, %dma_start3A_137] : memref<16384x80xf32, #tpu.memory_space<vmem_shared>> -> memref<128x80xf32, #tpu.memory_space<vmem_shared>>
      %dma_start3A_139 = arith.constant 0 : i32
      %dma_start3A_140 = tpu.memref_slice %arg15[%add3A_44, %dma_start3A_139] : memref<16384x80xf32, #tpu.memory_space<vmem_shared>> -> memref<128x80xf32, #tpu.memory_space<vmem_shared>>
      %dma_start3A_141 = arith.constant 0 : i32
      %dma_start3A_142 = arith.constant 0 : i32
      %dma_start3A_143 = tpu.memref_slice %arg5[%dma_start3A_141, %dma_start3A_142] : memref<128x80xf32, #tpu.memory_space<vmem>> -> memref<128x80xf32, #tpu.memory_space<vmem>>
      tpu.enqueue_dma source(%dma_start3A_143 : memref<128x80xf32, #tpu.memory_space<vmem>>) target(%dma_start3A_140 : memref<128x80xf32, #tpu.memory_space<vmem_shared>>) target_semaphore(%run_scoped3A : memref<!tpu.dma_semaphore, #tpu.memory_space<semaphore_mem>>)
      %dma_wait3A_144 = arith.constant 0 : i32
      %dma_wait3A_145 = arith.constant 0 : i32
      %dma_wait3A_146 = tpu.memref_slice %arg5[%dma_wait3A_144, %dma_wait3A_145] : memref<128x80xf32, #tpu.memory_space<vmem>> -> memref<128x80xf32, #tpu.memory_space<vmem>>
      %dma_wait3A_147 = arith.constant 0 : i32
      %dma_wait3A_148 = tpu.memref_slice %arg15[%add3A_44, %dma_wait3A_147] : memref<16384x80xf32, #tpu.memory_space<vmem_shared>> -> memref<128x80xf32, #tpu.memory_space<vmem_shared>>
      %dma_wait3A_149 = arith.constant 0 : i32
      %dma_wait3A_150 = tpu.memref_slice %arg15[%add3A_44, %dma_wait3A_149] : memref<16384x80xf32, #tpu.memory_space<vmem_shared>> -> memref<128x80xf32, #tpu.memory_space<vmem_shared>>
      %dma_wait3A_151 = arith.constant 0 : i32
      %dma_wait3A_152 = arith.constant 0 : i32
      %dma_wait3A_153 = tpu.memref_slice %arg5[%dma_wait3A_151, %dma_wait3A_152] : memref<128x80xf32, #tpu.memory_space<vmem>> -> memref<128x80xf32, #tpu.memory_space<vmem>>
      tpu.wait_dma2 semaphore(%run_scoped3A : memref<!tpu.dma_semaphore, #tpu.memory_space<semaphore_mem>>) src(%dma_wait3A_153 : memref<128x80xf32, #tpu.memory_space<vmem>>) dst(%dma_wait3A_150 : memref<128x80xf32, #tpu.memory_space<vmem_shared>>)
      tpu.yield
    }) : () -> ()
    %mul3A_45 = arith.constant 1024 : i32
    %mul3A_46 = arith.muli %arg1, %mul3A_45 : i32
    %add3A_47 = arith.constant 768 : i32
    %add3A_48 = arith.addi %mul3A_46, %add3A_47 : i32
    "tpu.region"() ({
      %run_scoped3A = tpu.sem_alloc : memref<!tpu.dma_semaphore, #tpu.memory_space<semaphore_mem>>
      %dma_start3A_134 = arith.constant 0 : i32
      %dma_start3A_135 = arith.constant 0 : i32
      %dma_start3A_136 = tpu.memref_slice %arg5[%dma_start3A_134, %dma_start3A_135] : memref<128x80xf32, #tpu.memory_space<vmem>> -> memref<128x80xf32, #tpu.memory_space<vmem>>
      %dma_start3A_137 = arith.constant 0 : i32
      %dma_start3A_138 = tpu.memref_slice %arg15[%add3A_48, %dma_start3A_137] : memref<16384x80xf32, #tpu.memory_space<vmem_shared>> -> memref<128x80xf32, #tpu.memory_space<vmem_shared>>
      %dma_start3A_139 = arith.constant 0 : i32
      %dma_start3A_140 = tpu.memref_slice %arg15[%add3A_48, %dma_start3A_139] : memref<16384x80xf32, #tpu.memory_space<vmem_shared>> -> memref<128x80xf32, #tpu.memory_space<vmem_shared>>
      %dma_start3A_141 = arith.constant 0 : i32
      %dma_start3A_142 = arith.constant 0 : i32
      %dma_start3A_143 = tpu.memref_slice %arg5[%dma_start3A_141, %dma_start3A_142] : memref<128x80xf32, #tpu.memory_space<vmem>> -> memref<128x80xf32, #tpu.memory_space<vmem>>
      tpu.enqueue_dma source(%dma_start3A_143 : memref<128x80xf32, #tpu.memory_space<vmem>>) target(%dma_start3A_140 : memref<128x80xf32, #tpu.memory_space<vmem_shared>>) target_semaphore(%run_scoped3A : memref<!tpu.dma_semaphore, #tpu.memory_space<semaphore_mem>>)
      %dma_wait3A_144 = arith.constant 0 : i32
      %dma_wait3A_145 = arith.constant 0 : i32
      %dma_wait3A_146 = tpu.memref_slice %arg5[%dma_wait3A_144, %dma_wait3A_145] : memref<128x80xf32, #tpu.memory_space<vmem>> -> memref<128x80xf32, #tpu.memory_space<vmem>>
      %dma_wait3A_147 = arith.constant 0 : i32
      %dma_wait3A_148 = tpu.memref_slice %arg15[%add3A_48, %dma_wait3A_147] : memref<16384x80xf32, #tpu.memory_space<vmem_shared>> -> memref<128x80xf32, #tpu.memory_space<vmem_shared>>
      %dma_wait3A_149 = arith.constant 0 : i32
      %dma_wait3A_150 = tpu.memref_slice %arg15[%add3A_48, %dma_wait3A_149] : memref<16384x80xf32, #tpu.memory_space<vmem_shared>> -> memref<128x80xf32, #tpu.memory_space<vmem_shared>>
      %dma_wait3A_151 = arith.constant 0 : i32
      %dma_wait3A_152 = arith.constant 0 : i32
      %dma_wait3A_153 = tpu.memref_slice %arg5[%dma_wait3A_151, %dma_wait3A_152] : memref<128x80xf32, #tpu.memory_space<vmem>> -> memref<128x80xf32, #tpu.memory_space<vmem>>
      tpu.wait_dma2 semaphore(%run_scoped3A : memref<!tpu.dma_semaphore, #tpu.memory_space<semaphore_mem>>) src(%dma_wait3A_153 : memref<128x80xf32, #tpu.memory_space<vmem>>) dst(%dma_wait3A_150 : memref<128x80xf32, #tpu.memory_space<vmem_shared>>)
      tpu.yield
    }) : () -> ()
    %mul3A_49 = arith.constant 1024 : i32
    %mul3A_50 = arith.muli %arg1, %mul3A_49 : i32
    %add3A_51 = arith.constant 896 : i32
    %add3A_52 = arith.addi %mul3A_50, %add3A_51 : i32
    "tpu.region"() ({
      %run_scoped3A = tpu.sem_alloc : memref<!tpu.dma_semaphore, #tpu.memory_space<semaphore_mem>>
      %dma_start3A_134 = arith.constant 0 : i32
      %dma_start3A_135 = arith.constant 0 : i32
      %dma_start3A_136 = tpu.memref_slice %arg5[%dma_start3A_134, %dma_start3A_135] : memref<128x80xf32, #tpu.memory_space<vmem>> -> memref<128x80xf32, #tpu.memory_space<vmem>>
      %dma_start3A_137 = arith.constant 0 : i32
      %dma_start3A_138 = tpu.memref_slice %arg15[%add3A_52, %dma_start3A_137] : memref<16384x80xf32, #tpu.memory_space<vmem_shared>> -> memref<128x80xf32, #tpu.memory_space<vmem_shared>>
      %dma_start3A_139 = arith.constant 0 : i32
      %dma_start3A_140 = tpu.memref_slice %arg15[%add3A_52, %dma_start3A_139] : memref<16384x80xf32, #tpu.memory_space<vmem_shared>> -> memref<128x80xf32, #tpu.memory_space<vmem_shared>>
      %dma_start3A_141 = arith.constant 0 : i32
      %dma_start3A_142 = arith.constant 0 : i32
      %dma_start3A_143 = tpu.memref_slice %arg5[%dma_start3A_141, %dma_start3A_142] : memref<128x80xf32, #tpu.memory_space<vmem>> -> memref<128x80xf32, #tpu.memory_space<vmem>>
      tpu.enqueue_dma source(%dma_start3A_143 : memref<128x80xf32, #tpu.memory_space<vmem>>) target(%dma_start3A_140 : memref<128x80xf32, #tpu.memory_space<vmem_shared>>) target_semaphore(%run_scoped3A : memref<!tpu.dma_semaphore, #tpu.memory_space<semaphore_mem>>)
      %dma_wait3A_144 = arith.constant 0 : i32
      %dma_wait3A_145 = arith.constant 0 : i32
      %dma_wait3A_146 = tpu.memref_slice %arg5[%dma_wait3A_144, %dma_wait3A_145] : memref<128x80xf32, #tpu.memory_space<vmem>> -> memref<128x80xf32, #tpu.memory_space<vmem>>
      %dma_wait3A_147 = arith.constant 0 : i32
      %dma_wait3A_148 = tpu.memref_slice %arg15[%add3A_52, %dma_wait3A_147] : memref<16384x80xf32, #tpu.memory_space<vmem_shared>> -> memref<128x80xf32, #tpu.memory_space<vmem_shared>>
      %dma_wait3A_149 = arith.constant 0 : i32
      %dma_wait3A_150 = tpu.memref_slice %arg15[%add3A_52, %dma_wait3A_149] : memref<16384x80xf32, #tpu.memory_space<vmem_shared>> -> memref<128x80xf32, #tpu.memory_space<vmem_shared>>
      %dma_wait3A_151 = arith.constant 0 : i32
      %dma_wait3A_152 = arith.constant 0 : i32
      %dma_wait3A_153 = tpu.memref_slice %arg5[%dma_wait3A_151, %dma_wait3A_152] : memref<128x80xf32, #tpu.memory_space<vmem>> -> memref<128x80xf32, #tpu.memory_space<vmem>>
      tpu.wait_dma2 semaphore(%run_scoped3A : memref<!tpu.dma_semaphore, #tpu.memory_space<semaphore_mem>>) src(%dma_wait3A_153 : memref<128x80xf32, #tpu.memory_space<vmem>>) dst(%dma_wait3A_150 : memref<128x80xf32, #tpu.memory_space<vmem_shared>>)
      tpu.yield
    }) : () -> ()
    %barrier3A = arith.constant 0 : index
    tpu.barrier barrier_id(%barrier3A)
    %add3A_53 = arith.constant 0 : i32
    %add3A_54 = arith.addi %mul3A_13, %add3A_53 : i32
    %dma_start3A = arith.constant 0 : i32
    %dma_start3A_55 = tpu.memref_slice %arg2[%add3A_54, %dma_start3A] : memref<249216x80xf32, #tpu.memory_space<hbm>> -> memref<128x80xf32, #tpu.memory_space<hbm>>
    %dma_start3A_56 = arith.constant 0 : i32
    %dma_start3A_57 = tpu.memref_slice %arg2[%add3A_54, %dma_start3A_56] : memref<249216x80xf32, #tpu.memory_space<hbm>> -> memref<128x80xf32, #tpu.memory_space<hbm>>
    tpu.enqueue_dma source(%dma_start3A_57 : memref<128x80xf32, #tpu.memory_space<hbm>>) target(%arg5 : memref<128x80xf32, #tpu.memory_space<vmem>>) target_semaphore(%arg9 : memref<!tpu.dma_semaphore, #tpu.memory_space<semaphore_mem>>)
    %add3A_58 = arith.constant 0 : i32
    %add3A_59 = arith.addi %select_n3A_11, %add3A_58 : i32
    %dma_start3A_60 = arith.constant 0 : i32
    %dma_start3A_61 = tpu.memref_slice %arg3[%add3A_59, %dma_start3A_60] : memref<1947x128xi32, #tpu.memory_space<hbm>> -> memref<1x128xi32, #tpu.memory_space<hbm>>
    %dma_start3A_62 = arith.constant 0 : i32
    %dma_start3A_63 = tpu.memref_slice %arg3[%add3A_59, %dma_start3A_62] : memref<1947x128xi32, #tpu.memory_space<hbm>> -> memref<1x128xi32, #tpu.memory_space<hbm>>
    tpu.enqueue_dma source(%dma_start3A_63 : memref<1x128xi32, #tpu.memory_space<hbm>>) target(%arg7 : memref<1x128xi32, #tpu.memory_space<vmem>>) target_semaphore(%arg10 : memref<!tpu.dma_semaphore, #tpu.memory_space<semaphore_mem>>)
    %scan3A_64 = arith.constant 0 : i32
    %scan3A_65 = arith.constant 0 : i32
    %scan3A_66 = arith.constant 31 : i32
    %scan3A_67 = arith.addi %scan3A_65, %scan3A_66 : i32
    %scan3A_68 = arith.constant 1 : i32
    %scan3A_69 = scf.for %scan3A_134 = %scan3A_65 to %scan3A_67 step %scan3A_68 iter_args(%scan3A_135 = %scan3A_64) -> (i32)  : i32 {
      %mul3A_136 = arith.constant 2 : i32
      %mul3A_137 = arith.muli %mul3A_136, %scan3A_134 : i32
      %mul3A_138 = arith.constant 2 : i32
      %mul3A_139 = arith.muli %mul3A_138, %scan3A_134 : i32
      %add3A_140 = arith.constant 1 : i32
      %add3A_141 = arith.addi %mul3A_139, %add3A_140 : i32
      %sub3A = arith.constant 2 : i32
      %sub3A_142 = arith.subi %add3A_141, %sub3A : i32
      %ge3A = arith.constant 0 : i32
      %ge3A_143 = arith.cmpi sge, %sub3A_142, %ge3A : i32
      %sub3A_144 = arith.constant 2 : i32
      %sub3A_145 = arith.subi %add3A_141, %sub3A_144 : i32
      %lt3A_146 = arith.cmpi slt, %sub3A_145, %select_n3A : i32
      %and3A = arith.andi %ge3A_143, %lt3A_146 : i1
      %convert_element_type3A = arith.extui %and3A : i1 to i32
      %cond3A = arith.constant 0 : i32
      %cond3A_147 = arith.cmpi ne, %convert_element_type3A, %cond3A : i32
      scf.if %cond3A_147 {
        %dma_wait3A_167 = arith.constant 0 : i32
        %dma_wait3A_168 = arith.constant 0 : i32
        %dma_wait3A_169 = tpu.memref_slice %arg8[%dma_wait3A_167, %dma_wait3A_168] : memref<1x128xi32, #tpu.memory_space<vmem>> -> memref<1x128xi32, #tpu.memory_space<vmem>>
        %dma_wait3A_170 = tpu.memref_squeeze %dma_wait3A_169 : memref<1x128xi32, #tpu.memory_space<vmem>> -> memref<128xi32, #tpu.memory_space<vmem>>
        %dma_wait3A_171 = arith.constant 0 : i32
        %dma_wait3A_172 = arith.constant 0 : i32
        %dma_wait3A_173 = tpu.memref_slice %arg15[%dma_wait3A_171, %dma_wait3A_172] : memref<16384x80xf32, #tpu.memory_space<vmem_shared>> -> memref<16384x80xf32, #tpu.memory_space<vmem_shared>>
        tpu.wait_indirect_dma semaphore(%arg14 : memref<!tpu.dma_semaphore, #tpu.memory_space<semaphore_mem>>) src(%arg6 : memref<128x80xf32, #tpu.memory_space<vmem>>) dst(%dma_wait3A_173 : memref<16384x80xf32, #tpu.memory_space<vmem_shared>>)
      } else {
      }
      %lt3A_148 = arith.cmpi slt, %add3A_141, %select_n3A : i32
      %convert_element_type3A_149 = arith.extui %lt3A_148 : i1 to i32
      %cond3A_150 = arith.constant 0 : i32
      %cond3A_151 = arith.cmpi ne, %convert_element_type3A_149, %cond3A_150 : i32
      scf.if %cond3A_151 {
        %mul3A_167 = arith.constant 128 : i32
        %mul3A_168 = arith.muli %add3A_141, %mul3A_167 : i32
        %add3A_169 = arith.addi %mul3A_13, %mul3A_168 : i32
        %dma_start3A_170 = arith.constant 0 : i32
        %dma_start3A_171 = tpu.memref_slice %arg2[%add3A_169, %dma_start3A_170] : memref<249216x80xf32, #tpu.memory_space<hbm>> -> memref<128x80xf32, #tpu.memory_space<hbm>>
        %dma_start3A_172 = arith.constant 0 : i32
        %dma_start3A_173 = tpu.memref_slice %arg2[%add3A_169, %dma_start3A_172] : memref<249216x80xf32, #tpu.memory_space<hbm>> -> memref<128x80xf32, #tpu.memory_space<hbm>>
        tpu.enqueue_dma source(%dma_start3A_173 : memref<128x80xf32, #tpu.memory_space<hbm>>) target(%arg6 : memref<128x80xf32, #tpu.memory_space<vmem>>) target_semaphore(%arg11 : memref<!tpu.dma_semaphore, #tpu.memory_space<semaphore_mem>>)
        %mul3A_174 = arith.constant 1 : i32
        %mul3A_175 = arith.muli %add3A_141, %mul3A_174 : i32
        %add3A_176 = arith.addi %select_n3A_11, %mul3A_175 : i32
        %dma_start3A_177 = arith.constant 0 : i32
        %dma_start3A_178 = tpu.memref_slice %arg3[%add3A_176, %dma_start3A_177] : memref<1947x128xi32, #tpu.memory_space<hbm>> -> memref<1x128xi32, #tpu.memory_space<hbm>>
        %dma_start3A_179 = arith.constant 0 : i32
        %dma_start3A_180 = tpu.memref_slice %arg3[%add3A_176, %dma_start3A_179] : memref<1947x128xi32, #tpu.memory_space<hbm>> -> memref<1x128xi32, #tpu.memory_space<hbm>>
        tpu.enqueue_dma source(%dma_start3A_180 : memref<1x128xi32, #tpu.memory_space<hbm>>) target(%arg8 : memref<1x128xi32, #tpu.memory_space<vmem>>) target_semaphore(%arg12 : memref<!tpu.dma_semaphore, #tpu.memory_space<semaphore_mem>>)
      } else {
      }
      %lt3A_152 = arith.cmpi slt, %mul3A_137, %select_n3A : i32
      %convert_element_type3A_153 = arith.extui %lt3A_152 : i1 to i32
      %cond3A_154 = arith.constant 0 : i32
      %cond3A_155 = arith.cmpi ne, %convert_element_type3A_153, %cond3A_154 : i32
      scf.if %cond3A_155 {
        %mul3A_167 = arith.constant 128 : i32
        %mul3A_168 = arith.muli %mul3A_137, %mul3A_167 : i32
        %add3A_169 = arith.addi %mul3A_13, %mul3A_168 : i32
        %dma_wait3A_170 = arith.constant 0 : i32
        %dma_wait3A_171 = tpu.memref_slice %arg2[%add3A_169, %dma_wait3A_170] : memref<249216x80xf32, #tpu.memory_space<hbm>> -> memref<128x80xf32, #tpu.memory_space<hbm>>
        %dma_wait3A_172 = arith.constant 0 : i32
        %dma_wait3A_173 = tpu.memref_slice %arg2[%add3A_169, %dma_wait3A_172] : memref<249216x80xf32, #tpu.memory_space<hbm>> -> memref<128x80xf32, #tpu.memory_space<hbm>>
        tpu.wait_dma2 semaphore(%arg9 : memref<!tpu.dma_semaphore, #tpu.memory_space<semaphore_mem>>) src(%dma_wait3A_173 : memref<128x80xf32, #tpu.memory_space<hbm>>) dst(%arg5 : memref<128x80xf32, #tpu.memory_space<vmem>>)
        %mul3A_174 = arith.constant 1 : i32
        %mul3A_175 = arith.muli %mul3A_137, %mul3A_174 : i32
        %add3A_176 = arith.addi %select_n3A_11, %mul3A_175 : i32
        %dma_wait3A_177 = arith.constant 0 : i32
        %dma_wait3A_178 = tpu.memref_slice %arg3[%add3A_176, %dma_wait3A_177] : memref<1947x128xi32, #tpu.memory_space<hbm>> -> memref<1x128xi32, #tpu.memory_space<hbm>>
        %dma_wait3A_179 = arith.constant 0 : i32
        %dma_wait3A_180 = tpu.memref_slice %arg3[%add3A_176, %dma_wait3A_179] : memref<1947x128xi32, #tpu.memory_space<hbm>> -> memref<1x128xi32, #tpu.memory_space<hbm>>
        tpu.wait_dma2 semaphore(%arg10 : memref<!tpu.dma_semaphore, #tpu.memory_space<semaphore_mem>>) src(%dma_wait3A_180 : memref<1x128xi32, #tpu.memory_space<hbm>>) dst(%arg7 : memref<1x128xi32, #tpu.memory_space<vmem>>)
        %dma_start3A_181 = arith.constant 0 : i32
        %dma_start3A_182 = arith.constant 0 : i32
        %dma_start3A_183 = tpu.memref_slice %arg7[%dma_start3A_181, %dma_start3A_182] : memref<1x128xi32, #tpu.memory_space<vmem>> -> memref<1x128xi32, #tpu.memory_space<vmem>>
        %dma_start3A_184 = tpu.memref_squeeze %dma_start3A_183 : memref<1x128xi32, #tpu.memory_space<vmem>> -> memref<128xi32, #tpu.memory_space<vmem>>
        %dma_start3A_185 = arith.constant 0 : i32
        %dma_start3A_186 = arith.constant 0 : i32
        %dma_start3A_187 = tpu.memref_slice %arg15[%dma_start3A_185, %dma_start3A_186] : memref<16384x80xf32, #tpu.memory_space<vmem_shared>> -> memref<16384x80xf32, #tpu.memory_space<vmem_shared>>
        tpu.enqueue_indirect_dma source(%arg5 : memref<128x80xf32, #tpu.memory_space<vmem>>) target(%dma_start3A_187 : memref<16384x80xf32, #tpu.memory_space<vmem_shared>>) offsets(%dma_start3A_184 : memref<128xi32, #tpu.memory_space<vmem>>) semaphore(%arg13 : memref<!tpu.dma_semaphore, #tpu.memory_space<semaphore_mem>>) {add = true}
      } else {
      }
      %lt3A_156 = arith.cmpi slt, %add3A_141, %select_n3A : i32
      %convert_element_type3A_157 = arith.extui %lt3A_156 : i1 to i32
      %cond3A_158 = arith.constant 0 : i32
      %cond3A_159 = arith.cmpi ne, %convert_element_type3A_157, %cond3A_158 : i32
      scf.if %cond3A_159 {
        %mul3A_167 = arith.constant 128 : i32
        %mul3A_168 = arith.muli %add3A_141, %mul3A_167 : i32
        %add3A_169 = arith.addi %mul3A_13, %mul3A_168 : i32
        %dma_wait3A_170 = arith.constant 0 : i32
        %dma_wait3A_171 = tpu.memref_slice %arg2[%add3A_169, %dma_wait3A_170] : memref<249216x80xf32, #tpu.memory_space<hbm>> -> memref<128x80xf32, #tpu.memory_space<hbm>>
        %dma_wait3A_172 = arith.constant 0 : i32
        %dma_wait3A_173 = tpu.memref_slice %arg2[%add3A_169, %dma_wait3A_172] : memref<249216x80xf32, #tpu.memory_space<hbm>> -> memref<128x80xf32, #tpu.memory_space<hbm>>
        tpu.wait_dma2 semaphore(%arg11 : memref<!tpu.dma_semaphore, #tpu.memory_space<semaphore_mem>>) src(%dma_wait3A_173 : memref<128x80xf32, #tpu.memory_space<hbm>>) dst(%arg6 : memref<128x80xf32, #tpu.memory_space<vmem>>)
        %mul3A_174 = arith.constant 1 : i32
        %mul3A_175 = arith.muli %add3A_141, %mul3A_174 : i32
        %add3A_176 = arith.addi %select_n3A_11, %mul3A_175 : i32
        %dma_wait3A_177 = arith.constant 0 : i32
        %dma_wait3A_178 = tpu.memref_slice %arg3[%add3A_176, %dma_wait3A_177] : memref<1947x128xi32, #tpu.memory_space<hbm>> -> memref<1x128xi32, #tpu.memory_space<hbm>>
        %dma_wait3A_179 = arith.constant 0 : i32
        %dma_wait3A_180 = tpu.memref_slice %arg3[%add3A_176, %dma_wait3A_179] : memref<1947x128xi32, #tpu.memory_space<hbm>> -> memref<1x128xi32, #tpu.memory_space<hbm>>
        tpu.wait_dma2 semaphore(%arg12 : memref<!tpu.dma_semaphore, #tpu.memory_space<semaphore_mem>>) src(%dma_wait3A_180 : memref<1x128xi32, #tpu.memory_space<hbm>>) dst(%arg8 : memref<1x128xi32, #tpu.memory_space<vmem>>)
        %dma_start3A_181 = arith.constant 0 : i32
        %dma_start3A_182 = arith.constant 0 : i32
        %dma_start3A_183 = tpu.memref_slice %arg8[%dma_start3A_181, %dma_start3A_182] : memref<1x128xi32, #tpu.memory_space<vmem>> -> memref<1x128xi32, #tpu.memory_space<vmem>>
        %dma_start3A_184 = tpu.memref_squeeze %dma_start3A_183 : memref<1x128xi32, #tpu.memory_space<vmem>> -> memref<128xi32, #tpu.memory_space<vmem>>
        %dma_start3A_185 = arith.constant 0 : i32
        %dma_start3A_186 = arith.constant 0 : i32
        %dma_start3A_187 = tpu.memref_slice %arg15[%dma_start3A_185, %dma_start3A_186] : memref<16384x80xf32, #tpu.memory_space<vmem_shared>> -> memref<16384x80xf32, #tpu.memory_space<vmem_shared>>
        tpu.enqueue_indirect_dma source(%arg6 : memref<128x80xf32, #tpu.memory_space<vmem>>) target(%dma_start3A_187 : memref<16384x80xf32, #tpu.memory_space<vmem_shared>>) offsets(%dma_start3A_184 : memref<128xi32, #tpu.memory_space<vmem>>) semaphore(%arg14 : memref<!tpu.dma_semaphore, #tpu.memory_space<semaphore_mem>>) {add = true}
      } else {
      }
      %add3A_160 = arith.constant 2 : i32
      %add3A_161 = arith.addi %mul3A_137, %add3A_160 : i32
      %lt3A_162 = arith.cmpi slt, %add3A_161, %select_n3A : i32
      %convert_element_type3A_163 = arith.extui %lt3A_162 : i1 to i32
      %cond3A_164 = arith.constant 0 : i32
      %cond3A_165 = arith.cmpi ne, %convert_element_type3A_163, %cond3A_164 : i32
      scf.if %cond3A_165 {
        %dma_wait3A_167 = arith.constant 0 : i32
        %dma_wait3A_168 = arith.constant 0 : i32
        %dma_wait3A_169 = tpu.memref_slice %arg7[%dma_wait3A_167, %dma_wait3A_168] : memref<1x128xi32, #tpu.memory_space<vmem>> -> memref<1x128xi32, #tpu.memory_space<vmem>>
        %dma_wait3A_170 = tpu.memref_squeeze %dma_wait3A_169 : memref<1x128xi32, #tpu.memory_space<vmem>> -> memref<128xi32, #tpu.memory_space<vmem>>
        %dma_wait3A_171 = arith.constant 0 : i32
        %dma_wait3A_172 = arith.constant 0 : i32
        %dma_wait3A_173 = tpu.memref_slice %arg15[%dma_wait3A_171, %dma_wait3A_172] : memref<16384x80xf32, #tpu.memory_space<vmem_shared>> -> memref<16384x80xf32, #tpu.memory_space<vmem_shared>>
        tpu.wait_indirect_dma semaphore(%arg13 : memref<!tpu.dma_semaphore, #tpu.memory_space<semaphore_mem>>) src(%arg5 : memref<128x80xf32, #tpu.memory_space<vmem>>) dst(%dma_wait3A_173 : memref<16384x80xf32, #tpu.memory_space<vmem_shared>>)
        %add3A_174 = arith.constant 2 : i32
        %add3A_175 = arith.addi %mul3A_137, %add3A_174 : i32
        %mul3A_176 = arith.constant 128 : i32
        %mul3A_177 = arith.muli %add3A_175, %mul3A_176 : i32
        %add3A_178 = arith.addi %mul3A_13, %mul3A_177 : i32
        %dma_start3A_179 = arith.constant 0 : i32
        %dma_start3A_180 = tpu.memref_slice %arg2[%add3A_178, %dma_start3A_179] : memref<249216x80xf32, #tpu.memory_space<hbm>> -> memref<128x80xf32, #tpu.memory_space<hbm>>
        %dma_start3A_181 = arith.constant 0 : i32
        %dma_start3A_182 = tpu.memref_slice %arg2[%add3A_178, %dma_start3A_181] : memref<249216x80xf32, #tpu.memory_space<hbm>> -> memref<128x80xf32, #tpu.memory_space<hbm>>
        tpu.enqueue_dma source(%dma_start3A_182 : memref<128x80xf32, #tpu.memory_space<hbm>>) target(%arg5 : memref<128x80xf32, #tpu.memory_space<vmem>>) target_semaphore(%arg9 : memref<!tpu.dma_semaphore, #tpu.memory_space<semaphore_mem>>)
        %mul3A_183 = arith.constant 1 : i32
        %mul3A_184 = arith.muli %add3A_175, %mul3A_183 : i32
        %add3A_185 = arith.addi %select_n3A_11, %mul3A_184 : i32
        %dma_start3A_186 = arith.constant 0 : i32
        %dma_start3A_187 = tpu.memref_slice %arg3[%add3A_185, %dma_start3A_186] : memref<1947x128xi32, #tpu.memory_space<hbm>> -> memref<1x128xi32, #tpu.memory_space<hbm>>
        %dma_start3A_188 = arith.constant 0 : i32
        %dma_start3A_189 = tpu.memref_slice %arg3[%add3A_185, %dma_start3A_188] : memref<1947x128xi32, #tpu.memory_space<hbm>> -> memref<1x128xi32, #tpu.memory_space<hbm>>
        tpu.enqueue_dma source(%dma_start3A_189 : memref<1x128xi32, #tpu.memory_space<hbm>>) target(%arg7 : memref<1x128xi32, #tpu.memory_space<vmem>>) target_semaphore(%arg10 : memref<!tpu.dma_semaphore, #tpu.memory_space<semaphore_mem>>)
      } else {
      }
      %scan3A_166 = arith.constant 0 : i32
      scf.yield %scan3A_166 : i32
    }
    %scan3A_70 = arith.constant 31 : i32
    %dma_wait3A = arith.constant 0 : i32
    %dma_wait3A_71 = arith.constant 0 : i32
    %dma_wait3A_72 = tpu.memref_slice %arg7[%dma_wait3A, %dma_wait3A_71] : memref<1x128xi32, #tpu.memory_space<vmem>> -> memref<1x128xi32, #tpu.memory_space<vmem>>
    %dma_wait3A_73 = tpu.memref_squeeze %dma_wait3A_72 : memref<1x128xi32, #tpu.memory_space<vmem>> -> memref<128xi32, #tpu.memory_space<vmem>>
    %dma_wait3A_74 = arith.constant 0 : i32
    %dma_wait3A_75 = arith.constant 0 : i32
    %dma_wait3A_76 = tpu.memref_slice %arg15[%dma_wait3A_74, %dma_wait3A_75] : memref<16384x80xf32, #tpu.memory_space<vmem_shared>> -> memref<16384x80xf32, #tpu.memory_space<vmem_shared>>
    tpu.wait_indirect_dma semaphore(%arg13 : memref<!tpu.dma_semaphore, #tpu.memory_space<semaphore_mem>>) src(%arg5 : memref<128x80xf32, #tpu.memory_space<vmem>>) dst(%dma_wait3A_76 : memref<16384x80xf32, #tpu.memory_space<vmem_shared>>)
    %barrier3A_77 = arith.constant 0 : index
    tpu.barrier barrier_id(%barrier3A_77)
    %mul3A_78 = arith.constant 1024 : i32
    %mul3A_79 = arith.muli %arg1, %mul3A_78 : i32
    %add3A_80 = arith.constant 0 : i32
    %add3A_81 = arith.addi %mul3A_79, %add3A_80 : i32
    %mul3A_82 = arith.constant 16384 : i32
    %mul3A_83 = arith.muli %arg0, %mul3A_82 : i32
    %add3A_84 = arith.addi %mul3A_83, %add3A_81 : i32
    "tpu.region"() ({
      %run_scoped3A = tpu.sem_alloc : memref<!tpu.dma_semaphore, #tpu.memory_space<semaphore_mem>>
      %dma_start3A_134 = arith.constant 0 : i32
      %dma_start3A_135 = tpu.memref_slice %arg4[%add3A_84, %dma_start3A_134] : memref<32768x80xf32, #tpu.memory_space<hbm>> -> memref<128x80xf32, #tpu.memory_space<hbm>>
      %dma_start3A_136 = arith.constant 0 : i32
      %dma_start3A_137 = tpu.memref_slice %arg15[%add3A_81, %dma_start3A_136] : memref<16384x80xf32, #tpu.memory_space<vmem_shared>> -> memref<128x80xf32, #tpu.memory_space<vmem_shared>>
      tpu.enqueue_dma source(%dma_start3A_137 : memref<128x80xf32, #tpu.memory_space<vmem_shared>>) target(%dma_start3A_135 : memref<128x80xf32, #tpu.memory_space<hbm>>) target_semaphore(%run_scoped3A : memref<!tpu.dma_semaphore, #tpu.memory_space<semaphore_mem>>)
      %dma_wait3A_138 = arith.constant 0 : i32
      %dma_wait3A_139 = tpu.memref_slice %arg4[%add3A_84, %dma_wait3A_138] : memref<32768x80xf32, #tpu.memory_space<hbm>> -> memref<128x80xf32, #tpu.memory_space<hbm>>
      %dma_wait3A_140 = arith.constant 0 : i32
      %dma_wait3A_141 = tpu.memref_slice %arg15[%add3A_81, %dma_wait3A_140] : memref<16384x80xf32, #tpu.memory_space<vmem_shared>> -> memref<128x80xf32, #tpu.memory_space<vmem_shared>>
      tpu.wait_dma2 semaphore(%run_scoped3A : memref<!tpu.dma_semaphore, #tpu.memory_space<semaphore_mem>>) src(%dma_wait3A_141 : memref<128x80xf32, #tpu.memory_space<vmem_shared>>) dst(%dma_wait3A_139 : memref<128x80xf32, #tpu.memory_space<hbm>>)
      tpu.yield
    }) : () -> ()
    %mul3A_85 = arith.constant 1024 : i32
    %mul3A_86 = arith.muli %arg1, %mul3A_85 : i32
    %add3A_87 = arith.constant 128 : i32
    %add3A_88 = arith.addi %mul3A_86, %add3A_87 : i32
    %mul3A_89 = arith.constant 16384 : i32
    %mul3A_90 = arith.muli %arg0, %mul3A_89 : i32
    %add3A_91 = arith.addi %mul3A_90, %add3A_88 : i32
    "tpu.region"() ({
      %run_scoped3A = tpu.sem_alloc : memref<!tpu.dma_semaphore, #tpu.memory_space<semaphore_mem>>
      %dma_start3A_134 = arith.constant 0 : i32
      %dma_start3A_135 = tpu.memref_slice %arg4[%add3A_91, %dma_start3A_134] : memref<32768x80xf32, #tpu.memory_space<hbm>> -> memref<128x80xf32, #tpu.memory_space<hbm>>
      %dma_start3A_136 = arith.constant 0 : i32
      %dma_start3A_137 = tpu.memref_slice %arg15[%add3A_88, %dma_start3A_136] : memref<16384x80xf32, #tpu.memory_space<vmem_shared>> -> memref<128x80xf32, #tpu.memory_space<vmem_shared>>
      tpu.enqueue_dma source(%dma_start3A_137 : memref<128x80xf32, #tpu.memory_space<vmem_shared>>) target(%dma_start3A_135 : memref<128x80xf32, #tpu.memory_space<hbm>>) target_semaphore(%run_scoped3A : memref<!tpu.dma_semaphore, #tpu.memory_space<semaphore_mem>>)
      %dma_wait3A_138 = arith.constant 0 : i32
      %dma_wait3A_139 = tpu.memref_slice %arg4[%add3A_91, %dma_wait3A_138] : memref<32768x80xf32, #tpu.memory_space<hbm>> -> memref<128x80xf32, #tpu.memory_space<hbm>>
      %dma_wait3A_140 = arith.constant 0 : i32
      %dma_wait3A_141 = tpu.memref_slice %arg15[%add3A_88, %dma_wait3A_140] : memref<16384x80xf32, #tpu.memory_space<vmem_shared>> -> memref<128x80xf32, #tpu.memory_space<vmem_shared>>
      tpu.wait_dma2 semaphore(%run_scoped3A : memref<!tpu.dma_semaphore, #tpu.memory_space<semaphore_mem>>) src(%dma_wait3A_141 : memref<128x80xf32, #tpu.memory_space<vmem_shared>>) dst(%dma_wait3A_139 : memref<128x80xf32, #tpu.memory_space<hbm>>)
      tpu.yield
    }) : () -> ()
    %mul3A_92 = arith.constant 1024 : i32
    %mul3A_93 = arith.muli %arg1, %mul3A_92 : i32
    %add3A_94 = arith.constant 256 : i32
    %add3A_95 = arith.addi %mul3A_93, %add3A_94 : i32
    %mul3A_96 = arith.constant 16384 : i32
    %mul3A_97 = arith.muli %arg0, %mul3A_96 : i32
    %add3A_98 = arith.addi %mul3A_97, %add3A_95 : i32
    "tpu.region"() ({
      %run_scoped3A = tpu.sem_alloc : memref<!tpu.dma_semaphore, #tpu.memory_space<semaphore_mem>>
      %dma_start3A_134 = arith.constant 0 : i32
      %dma_start3A_135 = tpu.memref_slice %arg4[%add3A_98, %dma_start3A_134] : memref<32768x80xf32, #tpu.memory_space<hbm>> -> memref<128x80xf32, #tpu.memory_space<hbm>>
      %dma_start3A_136 = arith.constant 0 : i32
      %dma_start3A_137 = tpu.memref_slice %arg15[%add3A_95, %dma_start3A_136] : memref<16384x80xf32, #tpu.memory_space<vmem_shared>> -> memref<128x80xf32, #tpu.memory_space<vmem_shared>>
      tpu.enqueue_dma source(%dma_start3A_137 : memref<128x80xf32, #tpu.memory_space<vmem_shared>>) target(%dma_start3A_135 : memref<128x80xf32, #tpu.memory_space<hbm>>) target_semaphore(%run_scoped3A : memref<!tpu.dma_semaphore, #tpu.memory_space<semaphore_mem>>)
      %dma_wait3A_138 = arith.constant 0 : i32
      %dma_wait3A_139 = tpu.memref_slice %arg4[%add3A_98, %dma_wait3A_138] : memref<32768x80xf32, #tpu.memory_space<hbm>> -> memref<128x80xf32, #tpu.memory_space<hbm>>
      %dma_wait3A_140 = arith.constant 0 : i32
      %dma_wait3A_141 = tpu.memref_slice %arg15[%add3A_95, %dma_wait3A_140] : memref<16384x80xf32, #tpu.memory_space<vmem_shared>> -> memref<128x80xf32, #tpu.memory_space<vmem_shared>>
      tpu.wait_dma2 semaphore(%run_scoped3A : memref<!tpu.dma_semaphore, #tpu.memory_space<semaphore_mem>>) src(%dma_wait3A_141 : memref<128x80xf32, #tpu.memory_space<vmem_shared>>) dst(%dma_wait3A_139 : memref<128x80xf32, #tpu.memory_space<hbm>>)
      tpu.yield
    }) : () -> ()
    %mul3A_99 = arith.constant 1024 : i32
    %mul3A_100 = arith.muli %arg1, %mul3A_99 : i32
    %add3A_101 = arith.constant 384 : i32
    %add3A_102 = arith.addi %mul3A_100, %add3A_101 : i32
    %mul3A_103 = arith.constant 16384 : i32
    %mul3A_104 = arith.muli %arg0, %mul3A_103 : i32
    %add3A_105 = arith.addi %mul3A_104, %add3A_102 : i32
    "tpu.region"() ({
      %run_scoped3A = tpu.sem_alloc : memref<!tpu.dma_semaphore, #tpu.memory_space<semaphore_mem>>
      %dma_start3A_134 = arith.constant 0 : i32
      %dma_start3A_135 = tpu.memref_slice %arg4[%add3A_105, %dma_start3A_134] : memref<32768x80xf32, #tpu.memory_space<hbm>> -> memref<128x80xf32, #tpu.memory_space<hbm>>
      %dma_start3A_136 = arith.constant 0 : i32
      %dma_start3A_137 = tpu.memref_slice %arg15[%add3A_102, %dma_start3A_136] : memref<16384x80xf32, #tpu.memory_space<vmem_shared>> -> memref<128x80xf32, #tpu.memory_space<vmem_shared>>
      tpu.enqueue_dma source(%dma_start3A_137 : memref<128x80xf32, #tpu.memory_space<vmem_shared>>) target(%dma_start3A_135 : memref<128x80xf32, #tpu.memory_space<hbm>>) target_semaphore(%run_scoped3A : memref<!tpu.dma_semaphore, #tpu.memory_space<semaphore_mem>>)
      %dma_wait3A_138 = arith.constant 0 : i32
      %dma_wait3A_139 = tpu.memref_slice %arg4[%add3A_105, %dma_wait3A_138] : memref<32768x80xf32, #tpu.memory_space<hbm>> -> memref<128x80xf32, #tpu.memory_space<hbm>>
      %dma_wait3A_140 = arith.constant 0 : i32
      %dma_wait3A_141 = tpu.memref_slice %arg15[%add3A_102, %dma_wait3A_140] : memref<16384x80xf32, #tpu.memory_space<vmem_shared>> -> memref<128x80xf32, #tpu.memory_space<vmem_shared>>
      tpu.wait_dma2 semaphore(%run_scoped3A : memref<!tpu.dma_semaphore, #tpu.memory_space<semaphore_mem>>) src(%dma_wait3A_141 : memref<128x80xf32, #tpu.memory_space<vmem_shared>>) dst(%dma_wait3A_139 : memref<128x80xf32, #tpu.memory_space<hbm>>)
      tpu.yield
    }) : () -> ()
    %mul3A_106 = arith.constant 1024 : i32
    %mul3A_107 = arith.muli %arg1, %mul3A_106 : i32
    %add3A_108 = arith.constant 512 : i32
    %add3A_109 = arith.addi %mul3A_107, %add3A_108 : i32
    %mul3A_110 = arith.constant 16384 : i32
    %mul3A_111 = arith.muli %arg0, %mul3A_110 : i32
    %add3A_112 = arith.addi %mul3A_111, %add3A_109 : i32
    "tpu.region"() ({
      %run_scoped3A = tpu.sem_alloc : memref<!tpu.dma_semaphore, #tpu.memory_space<semaphore_mem>>
      %dma_start3A_134 = arith.constant 0 : i32
      %dma_start3A_135 = tpu.memref_slice %arg4[%add3A_112, %dma_start3A_134] : memref<32768x80xf32, #tpu.memory_space<hbm>> -> memref<128x80xf32, #tpu.memory_space<hbm>>
      %dma_start3A_136 = arith.constant 0 : i32
      %dma_start3A_137 = tpu.memref_slice %arg15[%add3A_109, %dma_start3A_136] : memref<16384x80xf32, #tpu.memory_space<vmem_shared>> -> memref<128x80xf32, #tpu.memory_space<vmem_shared>>
      tpu.enqueue_dma source(%dma_start3A_137 : memref<128x80xf32, #tpu.memory_space<vmem_shared>>) target(%dma_start3A_135 : memref<128x80xf32, #tpu.memory_space<hbm>>) target_semaphore(%run_scoped3A : memref<!tpu.dma_semaphore, #tpu.memory_space<semaphore_mem>>)
      %dma_wait3A_138 = arith.constant 0 : i32
      %dma_wait3A_139 = tpu.memref_slice %arg4[%add3A_112, %dma_wait3A_138] : memref<32768x80xf32, #tpu.memory_space<hbm>> -> memref<128x80xf32, #tpu.memory_space<hbm>>
      %dma_wait3A_140 = arith.constant 0 : i32
      %dma_wait3A_141 = tpu.memref_slice %arg15[%add3A_109, %dma_wait3A_140] : memref<16384x80xf32, #tpu.memory_space<vmem_shared>> -> memref<128x80xf32, #tpu.memory_space<vmem_shared>>
      tpu.wait_dma2 semaphore(%run_scoped3A : memref<!tpu.dma_semaphore, #tpu.memory_space<semaphore_mem>>) src(%dma_wait3A_141 : memref<128x80xf32, #tpu.memory_space<vmem_shared>>) dst(%dma_wait3A_139 : memref<128x80xf32, #tpu.memory_space<hbm>>)
      tpu.yield
    }) : () -> ()
    %mul3A_113 = arith.constant 1024 : i32
    %mul3A_114 = arith.muli %arg1, %mul3A_113 : i32
    %add3A_115 = arith.constant 640 : i32
    %add3A_116 = arith.addi %mul3A_114, %add3A_115 : i32
    %mul3A_117 = arith.constant 16384 : i32
    %mul3A_118 = arith.muli %arg0, %mul3A_117 : i32
    %add3A_119 = arith.addi %mul3A_118, %add3A_116 : i32
    "tpu.region"() ({
      %run_scoped3A = tpu.sem_alloc : memref<!tpu.dma_semaphore, #tpu.memory_space<semaphore_mem>>
      %dma_start3A_134 = arith.constant 0 : i32
      %dma_start3A_135 = tpu.memref_slice %arg4[%add3A_119, %dma_start3A_134] : memref<32768x80xf32, #tpu.memory_space<hbm>> -> memref<128x80xf32, #tpu.memory_space<hbm>>
      %dma_start3A_136 = arith.constant 0 : i32
      %dma_start3A_137 = tpu.memref_slice %arg15[%add3A_116, %dma_start3A_136] : memref<16384x80xf32, #tpu.memory_space<vmem_shared>> -> memref<128x80xf32, #tpu.memory_space<vmem_shared>>
      tpu.enqueue_dma source(%dma_start3A_137 : memref<128x80xf32, #tpu.memory_space<vmem_shared>>) target(%dma_start3A_135 : memref<128x80xf32, #tpu.memory_space<hbm>>) target_semaphore(%run_scoped3A : memref<!tpu.dma_semaphore, #tpu.memory_space<semaphore_mem>>)
      %dma_wait3A_138 = arith.constant 0 : i32
      %dma_wait3A_139 = tpu.memref_slice %arg4[%add3A_119, %dma_wait3A_138] : memref<32768x80xf32, #tpu.memory_space<hbm>> -> memref<128x80xf32, #tpu.memory_space<hbm>>
      %dma_wait3A_140 = arith.constant 0 : i32
      %dma_wait3A_141 = tpu.memref_slice %arg15[%add3A_116, %dma_wait3A_140] : memref<16384x80xf32, #tpu.memory_space<vmem_shared>> -> memref<128x80xf32, #tpu.memory_space<vmem_shared>>
      tpu.wait_dma2 semaphore(%run_scoped3A : memref<!tpu.dma_semaphore, #tpu.memory_space<semaphore_mem>>) src(%dma_wait3A_141 : memref<128x80xf32, #tpu.memory_space<vmem_shared>>) dst(%dma_wait3A_139 : memref<128x80xf32, #tpu.memory_space<hbm>>)
      tpu.yield
    }) : () -> ()
    %mul3A_120 = arith.constant 1024 : i32
    %mul3A_121 = arith.muli %arg1, %mul3A_120 : i32
    %add3A_122 = arith.constant 768 : i32
    %add3A_123 = arith.addi %mul3A_121, %add3A_122 : i32
    %mul3A_124 = arith.constant 16384 : i32
    %mul3A_125 = arith.muli %arg0, %mul3A_124 : i32
    %add3A_126 = arith.addi %mul3A_125, %add3A_123 : i32
    "tpu.region"() ({
      %run_scoped3A = tpu.sem_alloc : memref<!tpu.dma_semaphore, #tpu.memory_space<semaphore_mem>>
      %dma_start3A_134 = arith.constant 0 : i32
      %dma_start3A_135 = tpu.memref_slice %arg4[%add3A_126, %dma_start3A_134] : memref<32768x80xf32, #tpu.memory_space<hbm>> -> memref<128x80xf32, #tpu.memory_space<hbm>>
      %dma_start3A_136 = arith.constant 0 : i32
      %dma_start3A_137 = tpu.memref_slice %arg15[%add3A_123, %dma_start3A_136] : memref<16384x80xf32, #tpu.memory_space<vmem_shared>> -> memref<128x80xf32, #tpu.memory_space<vmem_shared>>
      tpu.enqueue_dma source(%dma_start3A_137 : memref<128x80xf32, #tpu.memory_space<vmem_shared>>) target(%dma_start3A_135 : memref<128x80xf32, #tpu.memory_space<hbm>>) target_semaphore(%run_scoped3A : memref<!tpu.dma_semaphore, #tpu.memory_space<semaphore_mem>>)
      %dma_wait3A_138 = arith.constant 0 : i32
      %dma_wait3A_139 = tpu.memref_slice %arg4[%add3A_126, %dma_wait3A_138] : memref<32768x80xf32, #tpu.memory_space<hbm>> -> memref<128x80xf32, #tpu.memory_space<hbm>>
      %dma_wait3A_140 = arith.constant 0 : i32
      %dma_wait3A_141 = tpu.memref_slice %arg15[%add3A_123, %dma_wait3A_140] : memref<16384x80xf32, #tpu.memory_space<vmem_shared>> -> memref<128x80xf32, #tpu.memory_space<vmem_shared>>
      tpu.wait_dma2 semaphore(%run_scoped3A : memref<!tpu.dma_semaphore, #tpu.memory_space<semaphore_mem>>) src(%dma_wait3A_141 : memref<128x80xf32, #tpu.memory_space<vmem_shared>>) dst(%dma_wait3A_139 : memref<128x80xf32, #tpu.memory_space<hbm>>)
      tpu.yield
    }) : () -> ()
    %mul3A_127 = arith.constant 1024 : i32
    %mul3A_128 = arith.muli %arg1, %mul3A_127 : i32
    %add3A_129 = arith.constant 896 : i32
    %add3A_130 = arith.addi %mul3A_128, %add3A_129 : i32
    %mul3A_131 = arith.constant 16384 : i32
    %mul3A_132 = arith.muli %arg0, %mul3A_131 : i32
    %add3A_133 = arith.addi %mul3A_132, %add3A_130 : i32
    "tpu.region"() ({
      %run_scoped3A = tpu.sem_alloc : memref<!tpu.dma_semaphore, #tpu.memory_space<semaphore_mem>>
      %dma_start3A_134 = arith.constant 0 : i32
      %dma_start3A_135 = tpu.memref_slice %arg4[%add3A_133, %dma_start3A_134] : memref<32768x80xf32, #tpu.memory_space<hbm>> -> memref<128x80xf32, #tpu.memory_space<hbm>>
      %dma_start3A_136 = arith.constant 0 : i32
      %dma_start3A_137 = tpu.memref_slice %arg15[%add3A_130, %dma_start3A_136] : memref<16384x80xf32, #tpu.memory_space<vmem_shared>> -> memref<128x80xf32, #tpu.memory_space<vmem_shared>>
      tpu.enqueue_dma source(%dma_start3A_137 : memref<128x80xf32, #tpu.memory_space<vmem_shared>>) target(%dma_start3A_135 : memref<128x80xf32, #tpu.memory_space<hbm>>) target_semaphore(%run_scoped3A : memref<!tpu.dma_semaphore, #tpu.memory_space<semaphore_mem>>)
      %dma_wait3A_138 = arith.constant 0 : i32
      %dma_wait3A_139 = tpu.memref_slice %arg4[%add3A_133, %dma_wait3A_138] : memref<32768x80xf32, #tpu.memory_space<hbm>> -> memref<128x80xf32, #tpu.memory_space<hbm>>
      %dma_wait3A_140 = arith.constant 0 : i32
      %dma_wait3A_141 = tpu.memref_slice %arg15[%add3A_130, %dma_wait3A_140] : memref<16384x80xf32, #tpu.memory_space<vmem_shared>> -> memref<128x80xf32, #tpu.memory_space<vmem_shared>>
      tpu.wait_dma2 semaphore(%run_scoped3A : memref<!tpu.dma_semaphore, #tpu.memory_space<semaphore_mem>>) src(%dma_wait3A_141 : memref<128x80xf32, #tpu.memory_space<vmem_shared>>) dst(%dma_wait3A_139 : memref<128x80xf32, #tpu.memory_space<hbm>>)
      tpu.yield
    }) : () -> ()
    return
  }
}

module attributes {stable_mosaic.version = 14 : i64} {
  func.func @_merge_body(%arg0: i32, %arg1: memref<2x1024x80xf32, #tpu.memory_space<vmem>>, %arg2: memref<80x1024xf32, #tpu.memory_space<vmem>>) attributes {dimension_semantics = [#tpu.dimension_semantics<arbitrary>], iteration_bounds = array<i64: 16>, scalar_prefetch = 0 : i64, scratch_operands = 0 : i64, tpu.core_type = #tpu.core_type<tc>, window_params = [{transform_indices = @transform_0, window_bounds = array<i64: 2, 1024, 80>}, {transform_indices = @transform_1, window_bounds = array<i64: 80, 1024>}]} {
    %get3A = arith.constant 0 : index
    %get3A_0 = arith.constant 0 : index
    %get3A_1 = arith.constant 0 : index
    %get3A_2 = vector.load %arg1[%get3A, %get3A_0, %get3A_1] : memref<2x1024x80xf32, #tpu.memory_space<vmem>>, vector<1x1024x80xf32>
    %get3A_3 = vector.shape_cast %get3A_2 : vector<1x1024x80xf32> to vector<1024x80xf32>
    %get3A_4 = arith.constant 1 : index
    %get3A_5 = arith.constant 0 : index
    %get3A_6 = arith.constant 0 : index
    %get3A_7 = vector.load %arg1[%get3A_4, %get3A_5, %get3A_6] : memref<2x1024x80xf32, #tpu.memory_space<vmem>>, vector<1x1024x80xf32>
    %get3A_8 = vector.shape_cast %get3A_7 : vector<1x1024x80xf32> to vector<1024x80xf32>
    %add3A = arith.addf %get3A_3, %get3A_8 : vector<1024x80xf32>
    %iota3A = tpu.iota {dimensions = array<i32: 0>} : vector<1024x1024xi32>
    %iota3A_9 = tpu.iota {dimensions = array<i32: 1>} : vector<1024x1024xi32>
    %add3A_10 = arith.constant 0 : i32
    %add3A_11 = vector.broadcast %add3A_10 : i32 to vector<1024x1024xi32>
    %add3A_12 = arith.addi %iota3A, %add3A_11 : vector<1024x1024xi32>
    %eq3A = arith.cmpi eq, %add3A_12, %iota3A_9 : vector<1024x1024xi32>
    %convert_element_type3A = arith.extui %eq3A : vector<1024x1024xi1> to vector<1024x1024xi32>
    %convert_element_type3A_13 = arith.sitofp %convert_element_type3A : vector<1024x1024xi32> to vector<1024x1024xf32>
    %dot_general3A = arith.constant dense<0.000000e+00> : vector<80x1024xf32>
    %dot_general3A_14 = tpu.matmul %add3A, %convert_element_type3A_13, %dot_general3A {dimension_numbers = #tpu.dot_dimension_numbers<[0], [0], [1], [1], [0, 1, 1, 1], [], []>, transpose_lhs_hint = false} : vector<1024x80xf32>, vector<1024x1024xf32>, vector<80x1024xf32> -> vector<80x1024xf32>
    %swap3A = arith.constant 0 : index
    %swap3A_15 = arith.constant 0 : index
    %swap3A_16 = vector.load %arg2[%swap3A, %swap3A_15] : memref<80x1024xf32, #tpu.memory_space<vmem>>, vector<80x1024xf32>
    tpu.vector_store %arg2[%swap3A, %swap3A_15], %dot_general3A_14 {strides = array<i32>} : memref<80x1024xf32, #tpu.memory_space<vmem>>, vector<80x1024xf32>,
    return
  }
  func.func @transform_0(%arg0: i32) -> (i32, i32, i32) {
    %c0_i32 = arith.constant 0 : i32
    %c0_i32_0 = arith.constant 0 : i32
    %c0_i32_1 = arith.constant 0 : i32
    return %c0_i32, %arg0, %c0_i32_0 : i32, i32, i32
  }
  func.func @transform_1(%arg0: i32) -> (i32, i32) {
    %c0_i32 = arith.constant 0 : i32
    %c0_i32_0 = arith.constant 0 : i32
    return %c0_i32, %arg0 : i32, i32
  }
}

</mosaic_0001>

<sc_bundles>
// kernel: kernel.4.cloned.1.call-start
scs
__scs_entry_jumppad:
0x0: {  	(pc) =	sbr.rel $0x88, $3  }
0x1: {  	(tag) =	ssettag $0x0;
	lr =	simm.s32 $0x1  }
0x2: {  	[smem:$0x3F9F] =	sst lr;
	_ =	strace $0xD0000000  }
0x3: {  	_ = 	snop  }
0x4: {  	_ = 	snop  }
0x5: {  	_ = 	snop  }
0x6: {  	_ = 	snop  }
0x7: {  	_ = 	snop  }
__scs_overlays_trampoline_lowered:
0x8: {  	[smem:$0x3FAE] =	sst s0  }
0x9: {  	[smem:$0x3FAF] =	sst s1  }
0xa: {  	[smem:$0x3FB0] =	sst s2  }
0xb: {  	[smem:$0x3FB1] =	sst s3  }
0xc: {  	[smem:$0x3FB2] =	sst s4  }
0xd: {  	[smem:$0x3FB3] =	sst s5  }
0xe: {  	[smem:$0x3FB4] =	sst s6  }
0xf: {  	[smem:$0x3FB5] =	sst s7  }
0x10: {  	[smem:$0x3FB6] =	sst s8  }
0x11: {  	[smem:$0x3FB7] =	sst s9;
	s0 =	simm.s32 @!p0 $0x0  }
0x12: {  	s1 =	sld [smem:$0x3F9D];
	s0 =	simm.s32 @p0 $0x1  }
0x13: {  	[smem:$0x3FB8] =	sst s0;
	s0 =	simm.s32 @!p1 $0x0  }
0x14: {  	s2 =	sld [smem:$0x3F9C];
	s0 =	simm.s32 @p1 $0x1  }
0x15: {  	[smem:$0x3FB9] =	sst s0;
	s0 =	simm.s32 @!p2 $0x0  }
0x16: {  	s3 =	sld [smem:$0x3FDB];
	s0 =	simm.s32 @p2 $0x1  }
0x17: {  	s4 =	simm.s32 $0x1BF5;
	[smem:$0x3FBB] =	sst s0  }
0x18: {  	s0 =	sld [smem:$0x3F9E];
	_ =	swait.ge [sflag:s4], $0x0  }
0x19: {  	s7 =	sld [smem:$0x3F9F]  }
0x1a: {  	s8 =	sadd.s32 $0xFFFFE003, lr  }
0x1b: {  	s9 =	sadd.s32 $0xFFFFFEF7, lr;
	s5 =	simm.s32 $0xFFFFFFFF;
	p2 =	slt.u32 s8, $0xFFFFF086  }
0x1c: {  	p1 =	slt.u32 s9, $0xF7A;
	s5 =	simm.s32 @!p2 $0x0  }
0x1d: {  	s5 =	simm.s32 @p1 $0x1;
	p0 =	seq.s32 s7, s2  }
0x1e: {  	s7 =	smul.u32 @!p0 $0xF7A, s2;
	p2 =	seq.s32 @!p0 s5, $0x0  }
0x1f: {  	s9 =	smul.u32 $0xF7A, s1;
	s8 =	simm.s32 @!p0 $0x1BF5;
	p2 =	por !p2, p0  }
0x20: {  	[sflag:s8] =	ssyncset.s32 @!p0 $0xFFFFF086;
	s6 =	sadd.s32 @!p0 s3, s7;
	s7 =	simm.s32 @!p0 $0x108  }
0x21: {  	s3 =	sadd.s32 s3, s9;
	s6 =	sadd.s32 @!p0 $0x88, s6;
	s7 =	simm.s32 @p2 $0x1082  }
0x22: {  	[simem:s7], [sflag:s8] =	dma.local @!p0 [hbm:s6], $0xF7A  }
0x23: {  	s9 =	sor.u32 $0xD0000000, s2;
	s6 =	simm.s32 $0x108;
	_ =	swait.ge @!p0 [sflag:s8], $0x0  }
0x24: {  	s3 =	sadd.s32 $0x88, s3;
	s6 =	simm.s32 @!p1 $0x1082;
	[sflag:s4] =	ssyncset.s32 $0xFFFFF086  }
0x25: {  	[simem:s6], [sflag:s4] =	dma.local [hbm:s3], $0xF7A  }
0x26: {  	[smem:$0x3F9F] =	sst s1;
	(tag) =	ssettag s2;
	_ =	strace s9  }
0x27: {  	s1 =	sld [smem:$0x3FAF]  }
0x28: {  	s2 =	sld [smem:$0x3FB0]  }
0x29: {  	s4 =	sld [smem:$0x3FB2]  }
0x2a: {  	p0 =	seq.s32 s5, $0x0;
	s5 =	sld [smem:$0x3FB3]  }
0x2b: {  	s6 =	sld [smem:$0x3FB4]  }
0x2c: {  	s7 =	sld [smem:$0x3FB5]  }
0x2d: {  	s3 =	simm.s32 $0x108;
	s8 =	sld [smem:$0x3FB6]  }
0x2e: {  	s3 =	simm.s32 @!p0 $0x1082;
	s9 =	sld [smem:$0x3FB7]  }
0x2f: {  	lr =	sadd.s32 s0, s3;
	s0 =	sld [smem:$0x3FAE]  }
0x30: {  	s3 =	sld [smem:$0x3FB1]  }
0x31: {  	[smem:$0x3FBA] =	sst s10  }
0x32: {  	s10 =	sld [smem:$0x3FB8];
	_ =	sdelay $0x3  }
0x33: {  	p0 =	seq.s32 s10, $0x1;
	s10 =	sld [smem:$0x3FBA];
	_ =	sdelay $0x3  }
0x34: {  	[smem:$0x3FBA] =	sst s10  }
0x35: {  	s10 =	sld [smem:$0x3FB9];
	_ =	sdelay $0x3  }
0x36: {  	p1 =	seq.s32 s10, $0x1;
	s10 =	sld [smem:$0x3FBA];
	_ =	sdelay $0x3  }
0x37: {  	[smem:$0x3FBA] =	sst s10  }
0x38: {  	s10 =	sld [smem:$0x3FBB]  }
0x39: {  	_ = 	snop;
	(pc) =	sbr.ind lr, $3  }
0x3a: {  	_ = 	snop  }
0x3b: {  	_ = 	snop  }
0x3c: {  	p2 =	seq.s32 s10, $0x1;
	s10 =	sld [smem:$0x3FBA]  }
0x3d: {  	_ =	shalt  }
0x3e: {  	_ =	shalt  }
0x3f: {  	_ =	shalt  }
0x40: {  	_ =	shalt  }
0x41: {  	_ =	shalt  }
0x42: {  	_ =	shalt  }
0x43: {  	_ =	shalt  }
0x44: {  	_ =	shalt  }
0x45: {  	_ =	shalt  }
0x46: {  	_ =	shalt  }
0x47: {  	_ =	shalt  }
0x48: {  	_ =	shalt  }
0x49: {  	_ =	shalt  }
0x4a: {  	_ =	shalt  }
0x4b: {  	_ =	shalt  }
0x4c: {  	_ =	shalt  }
0x4d: {  	_ =	shalt  }
0x4e: {  	_ =	shalt  }
0x4f: {  	_ =	shalt  }
0x50: {  	_ =	shalt  }
0x51: {  	_ =	shalt  }
0x52: {  	_ =	shalt  }
0x53: {  	_ =	shalt  }
0x54: {  	_ =	shalt  }
0x55: {  	_ =	shalt  }
0x56: {  	_ =	shalt  }
0x57: {  	_ =	shalt  }
0x58: {  	_ =	shalt  }
0x59: {  	_ =	shalt  }
0x5a: {  	_ =	shalt  }
0x5b: {  	_ =	shalt  }
0x5c: {  	_ =	shalt  }
0x5d: {  	_ =	shalt  }
0x5e: {  	_ =	shalt  }
0x5f: {  	_ =	shalt  }
0x60: {  	_ =	shalt  }
0x61: {  	_ =	shalt  }
0x62: {  	_ =	shalt  }
0x63: {  	_ =	shalt  }
0x64: {  	_ =	shalt  }
0x65: {  	_ =	shalt  }
0x66: {  	_ =	shalt  }
0x67: {  	_ =	shalt  }
0x68: {  	_ =	shalt  }
0x69: {  	_ =	shalt  }
0x6a: {  	_ =	shalt  }
0x6b: {  	_ =	shalt  }
0x6c: {  	_ =	shalt  }
0x6d: {  	_ =	shalt  }
0x6e: {  	_ =	shalt  }
0x6f: {  	_ =	shalt  }
0x70: {  	_ =	shalt  }
0x71: {  	_ =	shalt  }
0x72: {  	_ =	shalt  }
0x73: {  	_ =	shalt  }
0x74: {  	_ =	shalt  }
0x75: {  	_ =	shalt  }
0x76: {  	_ =	shalt  }
0x77: {  	_ =	shalt  }
0x78: {  	_ =	shalt  }
0x79: {  	_ =	shalt  }
0x7a: {  	_ =	shalt  }
0x7b: {  	_ =	shalt  }
0x7c: {  	_ =	shalt  }
0x7d: {  	_ =	shalt  }
0x7e: {  	_ =	shalt  }
0x7f: {  	_ =	shalt  }
0x80: {  	_ =	shalt  }
0x81: {  	_ =	shalt  }
0x82: {  	_ =	shalt  }
0x83: {  	_ =	shalt  }
0x84: {  	_ =	shalt  }
0x85: {  	_ =	shalt  }
0x86: {  	_ =	shalt  }
0x87: {  	_ =	shalt  }
.Lfunc_end0:
.L_simem_size_0:
called_computation_lowered:
.L_overlay_start_0:
0x88: {  	s2 =	sld [smem:$0x3FD9]  }
0x89: {  	s3 =	sld [smem:$0x3FFE];
	_ =	sdelay $0x1  }
0x8a: {  	s1 =	srdreg.scid  }
0x8b: {  	s0 =	sand.u32 $0x1, s1  }
0x8c: {  	s17 =	sshll.u32 s0, $0xA;
	s2 =	sadd.s32 s3, s2  }
0x8d: {  	s2 =	sadd.s32 s2, s17  }
0x8e: {  	[smem:$0x3FC6] =	sst s2  }
0x8f: {  	_ = 	snop  }
0x90: {  	s2 =	sld [smem:$0x3FD0];
	(tm) =	ssettm $0x1  }
0x91: {  	s18 =	sld [smem:$0x3FFB];
	_ =	sdelay $0x3  }
0x92: {  	_ =	strace s18  }
0x93: {  	s3 =	sld [smem:$0x3FFC];
	_ =	sdelay $0x3  }
0x94: {  	_ =	strace s3  }
0x95: {  	s3 =	sld [smem:$0x3FFD];
	_ =	sdelay $0x3  }
0x96: {  	_ =	strace s3  }
0x97: {  	_ =	strace $0x8FFFFFFF  }
0x98: {  	s19 =	sld [smem:$0x3FDB];
	_ =	sdelay $0x1  }
0x99: {  	s4 =	simm.s32 $_scs_section_size  }
0x9a: {  	s5 =	simm.s32 $_size__tile_overlayer_lowered;
	s6 =	simm.s32 $_tile_overlayer_lowered  }
0x9b: {  	s22 =	simm.s32 $0x1BFF;
	s21 =	sshll.u32 s6, $0x1;
	s3 =	sadd.s32 s4, s19  }
0x9c: {  	s7 =	simm.s32 $0x0;
	s20 =	sshll.u32 s5, $0x1;
	s5 =	sadd.s32 s21, s3  }
0x9d: {  	[timem:s7], [sflag:s22] =	dma.local [hbm:s5], s20  }
0x9e: {  	_ =	swait.ge [sflag:s22], s20  }
0x9f: {  	s4 =	ssub.s32 $0x0, s20;
	[sflag:s22] =	ssyncset.done $0x0  }
0xa0: {  	[sflag:s22] =	ssyncadd.s32 s4;
	_ =	sdelay $0x1  }
0xa1: {  	s23 =	simm.s32 $0x1B8B  }
0xa2: {  	_ =	swait.ge [sflag:s23], $0x1  }
0xa3: {  	[sflag:s23] =	ssyncset.done $0x0  }
0xa4: {  	s25 =	simm.s32 $0x1B8E;
	s24 =	sld [smem:$0x3FFE];
	[sflag:s23] =	ssyncadd.s32 $0xFFFFFFFF  }
0xa5: {  	s26 =	simm.s32 $execute0_lowered;
	[smem:$0x3FD2] =	sst s25  }
0xa6: {  	s5 =	sshll.u32 s26, $0x1;
	_ =	strace $0x80000046;
	[dreg:$0x1] =	wrdreg $0xFFFFFFFF  }
0xa7: {  	s28 =	simm.s32 $_size_execute0_lowered;
	s3 =	sadd.s32 s3, s5;
	[dreg:$0x0] =	wrdreg $0x0  }
0xa8: {  	s5 =	sshll.u32 s28, $0x1;
	[dreg:$0x2] =	wrdreg s3  }
0xa9: {  	[dreg:$0x3] =	wrdreg s5  }
0xaa: {  	[dreg:$0x4] =	wrdreg $0xC0  }
0xab: {  	_ =	task [dreg:s7], $0x5FFFF  }
0xac: {  	[dreg:$0x1] =	wrdreg $0xFFFFFFFF  }
0xad: {  	[dreg:$0x0] =	wrdreg $0x60  }
0xae: {  	[dreg:$0x2] =	wrdreg s24  }
0xaf: {  	[dreg:$0x3] =	wrdreg s2  }
0xb0: {  	[dreg:$0x4] =	wrdreg $0x51000  }
0xb1: {  	[dreg:$0x5] =	wrdreg $0x9  }
0xb2: {  	_ =	task.clear_ibuf [dreg:s7], $0x6FFFF;
	_ =	strace $0x90000046  }
0xb3: {  	s29 =	simm.s32 $0x9;
	_ =	strace $0x80000048  }
0xb4: {  	_ =	swait.ge [sflag:s29], $0x1  }
0xb5: {  	[sflag:s29] =	ssyncadd.s32 $0xFFFFFFFF  }
0xb6: {  	_ =	strace $0x90000048  }
0xb7: {  	_ =	sfence  }
0xb8: {  	s30 =	sld [smem:$0x0];
	_ =	sdelay $0x2  }
0xb9: {  	s31 =	sshll.u32 s1, $0xD;
	s1 =	sshrl.u32 s1, $0x2  }
0xba: {  	s3 =	sand.u32 $0x4000, s31;
	s1 =	sadd.s32 s1, s30  }
0xbb: {  	s0 =	sor.u32 s3, s0;
	s1 =	sshll.u32 s1, $0x11  }
0xbc: {  	s0 =	sor.u32 s1, s0  }
0xbd: {  	s0 =	sadd.s32 $0x8F2B, s0  }
0xbe: {  	[sflag:s0] =	ssyncadd.remote.s32 $0x1  }
0xbf: {  	_ =	sfence.sel $0xFFFF  }
0xc0: {  	[dreg:$0x0] =	wrdreg $0xFFFFFFFF;
	(pc) =	sbr.abs _section_cstart, $3  }
0xc1: {  	[dreg:$0x1] =	wrdreg $0xFFFFFFFF  }
0xc2: {  	_ =	task.clear_ibuf [dreg:s7], $0x2FFFF;
	_ =	strace $0x9FFFFFFF  }
0xc3: {  	(tm) =	ssettm $0x7FFFFFFF  }
tec
execute0_lowered:
.L_overlay_start_1:
0x0: {  	(tag) =	ssettag $0x1  }
0x1: {  	s0 =	srdreg.scid  }
0x2: {  	s24 =	stileid.u32;
	s3 =	rddreg [dreg:$0x0];
	s2 =	sand.u32 $0x1, s0  }
0x3: {  	s1 =	rddreg [dreg:$0x1];
	s28 =	simm.s32 $0x7;
	s0 =	sshll.u32 s2, $0x4  }
0x4: {  	s29 =	simm.s32 $0x5000;
	s26 =	sshll.u32 s24, $0xA;
	s0 =	sor.u32 s24, s0  }
0x5: {  	s7 =	ssub.s32 $0x2, s2;
	s8 =	sshll.u32 s2, $0xE;
	s4 =	smul.u32 $0x3C, s0  }
0x6: {  	s9 =	sor.u32 $0x80, s26;
	s11 =	sor.u32 s26, s8;
	s6 =	smul.u32 $0x3D, s0  }
0x7: {  	s13 =	sor.u32 $0x100, s26;
	s12 =	sor.u32 s8, s9;
	s11 =	smul.u32 $0xA, s11  }
0x8: {  	s15 =	sor.u32 $0x180, s26;
	s14 =	sor.u32 s8, s13;
	s12 =	smul.u32 $0xA, s12  }
0x9: {  	s16 =	sor.u32 $0x200, s26;
	s17 =	sor.u32 s8, s15;
	s14 =	smul.u32 $0xA, s14  }
0xa: {  	s18 =	sor.u32 $0x280, s26;
	s19 =	sor.u32 s8, s16;
	s17 =	smul.u32 $0xA, s17  }
0xb: {  	s20 =	sor.u32 $0x300, s26;
	s21 =	sor.u32 s8, s18;
	s19 =	smul.u32 $0xA, s19  }
0xc: {  	s22 =	sshrl.u32 s7, $0x1;
	s23 =	sor.u32 s8, s20;
	s21 =	smul.u32 $0xA, s21  }
0xd: {  	s30 =	simm.s32 $0x2800;
	s7 =	ssub.s32 s7, s22;
	s22 =	smul.u32 $0xA, s23  }
0xe: {  	s31 =	simm.s32 $0x5080;
	s5 =	sadd.s32 $0x3CDC00, s3;
	s23 =	smul.u32 $0x12C000, s2  }
0xf: {  	s3 =	sadd.s32 $0x400, s3;
	p0 =	slt.u32 s0, $0x1B;
	s2 =	smul.u32 $0x3C0, s2  }
0x10: {  	s4 =	sadd.s32 $0x1B, s4;
	s11 =	sadd.s32 s3, s11;
	s25 =	sadd.s32 s3, s12  }
0x11: {  	s14 =	sadd.s32 s3, s14;
	s12 =	simm.s32 $0x3D;
	[dreg:$0x5] =	wrdreg s11  }
0x12: {  	s4 =	smov.u32 @p0 s6;
	s6 =	sor.u32 $0x380, s26;
	[dreg:$0x6] =	wrdreg s25  }
0x13: {  	s26 =	smul.u32 $0x12C00, s24;
	[dreg:$0x7] =	wrdreg s14;
	s25 =	sadd.s32 s3, s19  }
0x14: {  	s14 =	sadd.s32 s3, s22;
	s19 =	smul.u32 $0x50000, s24;
	s12 =	simm.s32 @!p0 $0x3C  }
0x15: {  	p0 =	sgt.u32 s0, $0x1A;
	s22 =	smul.u32 $0x140, s13;
	[dreg:$0x9] =	wrdreg s25  }
0x16: {  	s10 =	smul.u32 $0x500, s4;
	s8 =	sor.u32 s8, s6;
	[dreg:$0xb] =	wrdreg s14  }
0x17: {  	s4 =	sshll.u32 s4, $0x4;
	s14 =	simm.s32 $0x0;
	s25 =	smul.u32 $0x140, s18  }
0x18: {  	s8 =	smul.u32 $0xA, s8;
	s4 =	sand.u32 $0x1FFFFFF0, s4;
	s10 =	sadd.s32 s5, s10  }
0x19: {  	s5 =	sadd.s32 s23, s5;
	s23 =	sadd.s32 s3, s17;
	s17 =	smul.u32 $0x3C, s24  }
0x1a: {  	[smem:$0x7FF] =	sst s14;
	s4 =	sadd.s32 s1, s4;
	s24 =	smul.u32 $0x140, s16  }
0x1b: {  	s18 =	sshrl.u32 s25, $0x2;
	[dreg:$0x4] =	wrdreg s10;
	s10 =	smin.u32 s0, $0x1B  }
0x1c: {  	s5 =	sadd.s32 s26, s5;
	[dreg:$0x8] =	wrdreg s23;
	s26 =	sadd.s32 s3, s21  }
0x1d: {  	s3 =	sadd.s32 s3, s8;
	[dreg:$0xd] =	wrdreg s4;
	s21 =	smul.u32 $0x140, s9  }
0x1e: {  	s4 =	sshrl.u32 s19, $0x2;
	s23 =	smul.u32 $0x140, s15;
	s0 =	sshrl.u32 s22, $0x2  }
0x1f: {  	s9 =	smul.u32 $0x140, s6;
	s8 =	simm.s32 $0x1;
	s6 =	simm.s32 $0x0  }
0x20: {  	s11 =	smul.u32 $0x500, s10;
	[dreg:$0xa] =	wrdreg s26;
	s2 =	sadd.s32 s17, s2  }
0x21: {  	[dreg:$0xc] =	wrdreg s3;
	s26 =	smul.u32 $0x140, s20;
	s2 =	sadd.s32 s10, s2  }
0x22: {  	s19 =	sshrl.u32 s9, $0x2;
	s3 =	sadd.s32 s11, s5;
	s11 =	rddreg [dreg:$0x2]  }
0x23: {  	s2 =	sshll.u32 s2, $0x4;
	_ =	strace $0x80000047;
	s5 =	sshrl.u32 s23, $0x2  }
0x24: {  	s1 =	sadd.s32 s2, s1;
	s10 =	sadd.s32 s4, s11;
	s2 =	sshrl.u32 s21, $0x2  }
0x25: {  	s15 =	sadd.s32 s0, s11;
	s4 =	sshrl.u32 s24, $0x2;
	s16 =	sadd.s32 s5, s11  }
0x26: {  	s23 =	sadd.s32 s18, s11;
	s0 =	sshrl.u32 s26, $0x2;
	s20 =	sadd.s32 s19, s11  }
0x27: {  	s21 =	smax.u32 s7, $0x1;
	s24 =	sadd.s32 $0x500, s3;
	s3 =	simm.s32 $0x4  }
0x28: {  	s13 =	sadd.s32 s2, s11;
	s17 =	sadd.s32 s4, s11;
	[dreg:$0xe] =	wrdreg s20  }
0x29: {  	s26 =	sadd.s32 s0, s11;
	[dreg:$0xf] =	wrdreg s21;
	s22 =	sadd.s32 $0x10, s1  }
0x2a: {  	s25 =	sadd.s32 $0x20, s1;
	s0 =	simm.s32 $0x2;
	[dreg:$0x10] =	wrdreg s22  }
0x2b: {  	v0 =	vimm.f32 $0.0e+00;
	s1 =	simm.s32 $0x80;
	s2 =	simm.s32 $0x3;
	[dreg:$0x11] =	wrdreg s25  }
.LBB2_1:
0x2c: {  	s7 =	simm.s32 $0x140;
	s5 =	simm.s32 $0x0  }
.LBB2_2:
0x2d: {  	p1 =	sne.s32 s7, $0x9EC0;
	[tilespmem:s5+$0x40] =	vst v0;
	s9 =	smov.u32 s7;
	s7 =	sadd.s32 $0x140, s7  }
.Ltmp0:
0x2e: {  	[tilespmem:s5+$0x30] =	vst v0;
	(pc) =	sbr.rel @p1 .LBB2_2-.Ltmp0, $4  }
0x2f: {  	[tilespmem:s5+$0x20] =	vst v0  }
0x30: {  	[tilespmem:s5+$0x0] =	vst v0  }
0x31: {  	[tilespmem:s5+$0x10] =	vst v0  }
0x32: {  	s5 =	sshra.s32 s9, $0x2  }
0x33: {  	[tilespmem:s5+$0x40] =	vst v0  }
0x34: {  	[tilespmem:s5+$0x30] =	vst v0  }
0x35: {  	[tilespmem:s5+$0x20] =	vst v0  }
0x36: {  	[tilespmem:s5+$0x0] =	vst v0  }
0x37: {  	[tilespmem:s5+$0x10] =	vst v0  }
0x38: {  	[spmem:s10] =	stream.linear.scatter [tilespmem:s14], [sflag:$0x7], $0x2800, $0x38;
	[tilespmem:$0x19100] =	vst v63  }
0x39: {  	_ =	swait.ge [sflag:s28], $0x2800  }
0x3a: {  	[sflag:s28] =	ssyncset.done $0x0  }
0x3b: {  	[sflag:s28] =	ssyncadd.s32 $0xFFFFD800  }
0x3c: {  	[spmem:s13] =	stream.linear.scatter [tilespmem:s14], [sflag:$0x7], $0x2800, $0x38;
	[tilespmem:$0x19100] =	vst v63  }
0x3d: {  	_ =	swait.ge [sflag:s28], $0x2800  }
0x3e: {  	[sflag:s28] =	ssyncset.done $0x0  }
0x3f: {  	[sflag:s28] =	ssyncadd.s32 $0xFFFFD800  }
0x40: {  	[spmem:s15] =	stream.linear.scatter [tilespmem:s14], [sflag:$0x7], $0x2800, $0x38;
	[tilespmem:$0x19100] =	vst v63  }
0x41: {  	_ =	swait.ge [sflag:s28], $0x2800  }
0x42: {  	[sflag:s28] =	ssyncset.done $0x0  }
0x43: {  	[sflag:s28] =	ssyncadd.s32 $0xFFFFD800  }
0x44: {  	[spmem:s16] =	stream.linear.scatter [tilespmem:s14], [sflag:$0x7], $0x2800, $0x38;
	[tilespmem:$0x19100] =	vst v63  }
0x45: {  	_ =	swait.ge [sflag:s28], $0x2800  }
0x46: {  	[sflag:s28] =	ssyncset.done $0x0  }
0x47: {  	[sflag:s28] =	ssyncadd.s32 $0xFFFFD800  }
0x48: {  	[spmem:s17] =	stream.linear.scatter [tilespmem:s14], [sflag:$0x7], $0x2800, $0x38;
	[tilespmem:$0x19100] =	vst v63  }
0x49: {  	_ =	swait.ge [sflag:s28], $0x2800  }
0x4a: {  	[sflag:s28] =	ssyncset.done $0x0  }
0x4b: {  	[sflag:s28] =	ssyncadd.s32 $0xFFFFD800  }
0x4c: {  	[spmem:s23] =	stream.linear.scatter [tilespmem:s14], [sflag:$0x7], $0x2800, $0x38;
	[tilespmem:$0x19100] =	vst v63  }
0x4d: {  	_ =	swait.ge [sflag:s28], $0x2800  }
0x4e: {  	[sflag:s28] =	ssyncset.done $0x0  }
0x4f: {  	[sflag:s28] =	ssyncadd.s32 $0xFFFFD800  }
0x50: {  	[spmem:s26] =	stream.linear.scatter [tilespmem:s14], [sflag:$0x7], $0x2800, $0x38;
	[tilespmem:$0x19100] =	vst v63  }
0x51: {  	_ =	swait.ge [sflag:s28], $0x2800  }
0x52: {  	[sflag:s28] =	ssyncset.done $0x0  }
0x53: {  	s21 =	smov.u32 s16;
	s16 =	rddreg [dreg:$0xe];
	[sflag:s28] =	ssyncadd.s32 $0xFFFFD800  }
0x54: {  	[spmem:s16] =	stream.linear.scatter [tilespmem:s14], [sflag:$0x7], $0x2800, $0x38;
	[tilespmem:$0x19100] =	vst v63  }
0x55: {  	_ =	swait.ge [sflag:s28], $0x2800  }
0x56: {  	[sflag:s28] =	ssyncset.done $0x0  }
0x57: {  	[sflag:s28] =	ssyncadd.s32 $0xFFFFD800  }
0x58: {  	p1 =	sle.u32 s12, $0xFFFFFFFF;
	[bflag:$0x0] =	sbarrier.arrive $0xFFFF  }
0x59: {  	s22 =	smov.u32 s17;
	p1 =	por p1, p1;
	s17 =	rddreg [dreg:$0x4]  }
0x5a: {  	[tilespmem:s14], [sflag:$0x1] =	stream.linear.gather [hbm4b:s17+s14], $0x2800, $0x38;
	[tilespmem:$0x19100] =	vst v63  }
0x5b: {  	s25 =	smov.u32 s23;
	s5 =	simm.s32 @!p1 $0x6;
	s23 =	rddreg [dreg:$0xd]  }
0x5c: {  	[tilespmem:s29], [sflag:$0x2] =	stream.linear.gather [hbm4b:s23+s14], $0x80, $0x38;
	[tilespmem:$0x19100] =	vst v63  }
0x5d: {  	_ =	swait.ge @!p1 [sflag:s5], $0x2800  }
0x5e: {  	[sflag:s5] =	ssyncset.done @!p1 $0x0  }
0x5f: {  	[sflag:s5] =	ssyncadd.s32 @!p1 $0xFFFFD800  }
0x60: {  	[tilespmem:s30], [sflag:$0x3] =	stream.linear.gather [hbm4b:s24+s14], $0x2800, $0x38;
	[tilespmem:$0x19100] =	vst v63  }
0x61: {  	s4 =	smov.u32 s26;
	s26 =	rddreg [dreg:$0x10]  }
0x62: {  	[tilespmem:s31], [sflag:$0x4] =	stream.linear.gather [hbm4b:s26+s14], $0x80, $0x38;
	[tilespmem:$0x19100] =	vst v63  }
0x63: {  	_ =	swait.ge [sflag:s8], $0x2800  }
0x64: {  	[sflag:s8] =	ssyncset.done $0x0  }
0x65: {  	[sflag:s8] =	ssyncadd.s32 $0xFFFFD800  }
0x66: {  	_ =	swait.ge [sflag:s0], $0x80  }
0x67: {  	[sflag:s0] =	ssyncset.done $0x0  }
0x68: {  	[sflag:s0] =	ssyncadd.s32 $0xFFFFFF80  }
0x69: {  	[spmem:s11] =	stream.indirect.scatter.add.f32 [tilespmem:s14], [sflag:$0x5], $0x50, s29, s1, $0xb8;
	[tilespmem:$0x19100] =	vst v63  }
0x6a: {  	_ =	swait.ge [sflag:s2], $0x2800  }
0x6b: {  	[sflag:s2] =	ssyncset.done $0x0  }
0x6c: {  	s18 =	smov.u32 s10;
	[sflag:s2] =	ssyncadd.s32 $0xFFFFD800  }
0x6d: {  	s19 =	smov.u32 s13;
	s20 =	smov.u32 s15;
	_ =	swait.ge [sflag:s3], $0x80  }
0x6e: {  	p3 =	sle.u32 s12, $0x2;
	s9 =	simm.s32 $0x1;
	[sflag:s3] =	ssyncset.done $0x0  }
0x6f: {  	p6 =	sle.u32 s12, $0x1;
	s7 =	simm.s32 @!p3 $0x5;
	[sflag:s3] =	ssyncadd.s32 $0xFFFFFF80  }
0x70: {  	[spmem:s11] =	stream.indirect.scatter.add.f32 [tilespmem:s30], [sflag:$0x6], $0x50, s31, s1, $0xb8;
	[tilespmem:$0x19100] =	vst v63  }
0x71: {  	s10 =	sadd.s32 @!p3 $0x500, s24;
	s15 =	simm.s32 @!p3 $0x5000;
	_ =	swait.ge @!p3 [sflag:s7], $0x2800  }
0x72: {  	s23 =	simm.s32 $0x3;
	s5 =	simm.s32 @!p3 $0x0;
	[sflag:s7] =	ssyncset.done @!p3 $0x0  }
0x73: {  	s13 =	sadd.s32 $0x20, s26;
	s26 =	rddreg [dreg:$0x11];
	[sflag:s7] =	ssyncadd.s32 @!p3 $0xFFFFD800  }
0x74: {  	[tilespmem:s5], [sflag:$0x1] =	stream.linear.gather @!p3 [hbm4b:s10+s5], $0x2800, $0x38;
	[tilespmem:$0x19100] =	vst v63  }
0x75: {  	p1 =	por p6, p6;
	s7 =	sadd.s32 $0x20, s26;
	s10 =	sadd.s32 $0xA00, s24  }
.LBB2_4:
0x76: {  	p4 =	sge.u32 s23, s12  }
0x77: {  	s16 =	simm.s32 @!p1 $0x6;
	s17 =	smov.u32 s23;
	s23 =	sadd.s32 $0x2, s23  }
0x78: {  	[tilespmem:s15], [sflag:$0x2] =	stream.linear.gather @!p3 [hbm4b:s26+s5], $0x80, $0x38;
	[tilespmem:$0x19100] =	vst v63  }
0x79: {  	p2 =	sne.s32 s23, $0x3B;
	s26 =	smov.u32 s7;
	_ =	swait.ge @!p1 [sflag:s16], $0x2800  }
0x7a: {  	[sflag:s16] =	ssyncset.done @!p1 $0x0  }
0x7b: {  	[sflag:s16] =	ssyncadd.s32 @!p1 $0xFFFFD800;
	p1 =	por p4, p4  }
0x7c: {  	[tilespmem:s30], [sflag:$0x3] =	stream.linear.gather [hbm4b:s10+s14], $0x2800, $0x38;
	[tilespmem:$0x19100] =	vst v63  }
0x7d: {  	_ = 	snop  }
0x7e: {  	[tilespmem:s31], [sflag:$0x4] =	stream.linear.gather [hbm4b:s13+s14], $0x80, $0x38;
	[tilespmem:$0x19100] =	vst v63  }
0x7f: {  	_ =	swait.ge [sflag:s8], $0x2800  }
0x80: {  	[sflag:s8] =	ssyncset.done $0x0  }
0x81: {  	[sflag:s8] =	ssyncadd.s32 $0xFFFFD800  }
0x82: {  	_ =	swait.ge [sflag:s0], $0x80  }
0x83: {  	[sflag:s0] =	ssyncset.done $0x0  }
0x84: {  	[sflag:s0] =	ssyncadd.s32 $0xFFFFFF80  }
0x85: {  	[spmem:s11] =	stream.indirect.scatter.add.f32 [tilespmem:s14], [sflag:$0x5], $0x50, s29, s1, $0xb8;
	[tilespmem:$0x19100] =	vst v63  }
0x86: {  	_ =	swait.ge [sflag:s2], $0x2800  }
0x87: {  	[sflag:s2] =	ssyncset.done $0x0  }
0x88: {  	[sflag:s2] =	ssyncadd.s32 $0xFFFFD800  }
0x89: {  	_ =	swait.ge [sflag:s3], $0x80  }
0x8a: {  	s5 =	sadd.s32 $0x3, s9;
	s9 =	smov.u32 s17;
	[sflag:s3] =	ssyncset.done $0x0  }
0x8b: {  	p3 =	sge.u32 s5, s12;
	[sflag:s3] =	ssyncadd.s32 $0xFFFFFF80  }
0x8c: {  	[spmem:s11] =	stream.indirect.scatter.add.f32 [tilespmem:s30], [sflag:$0x6], $0x50, s31, s1, $0xb8;
	[tilespmem:$0x19100] =	vst v63  }
.Ltmp1:
0x8d: {  	s15 =	simm.s32 @!p3 $0x5;
	(pc) =	sbr.rel @p2 .LBB2_4-.Ltmp1, $4  }
0x8e: {  	s7 =	sadd.s32 $0x20, s7;
	s13 =	sadd.s32 $0x20, s13;
	_ =	swait.ge @!p3 [sflag:s15], $0x2800  }
0x8f: {  	s5 =	simm.s32 @!p3 $0x0;
	s16 =	sadd.s32 @!p3 $0x500, s10;
	[sflag:s15] =	ssyncset.done @!p3 $0x0  }
0x90: {  	s10 =	sadd.s32 $0xA00, s10;
	[sflag:s15] =	ssyncadd.s32 @!p3 $0xFFFFD800;
	s15 =	simm.s32 @!p3 $0x5000  }
0x91: {  	[tilespmem:s5], [sflag:$0x1] =	stream.linear.gather @!p3 [hbm4b:s16+s5], $0x2800, $0x38;
	[tilespmem:$0x19100] =	vst v63  }
0x92: {  	[tilespmem:s15], [sflag:$0x2] =	stream.linear.gather @!p3 [hbm4b:s26+s5], $0x80, $0x38;
	[tilespmem:$0x19100] =	vst v63  }
0x93: {  	s5 =	simm.s32 @!p1 $0x6  }
0x94: {  	_ =	swait.ge @!p1 [sflag:s5], $0x2800  }
0x95: {  	[sflag:s5] =	ssyncset.done @!p1 $0x0  }
0x96: {  	[sflag:s5] =	ssyncadd.s32 @!p1 $0xFFFFD800  }
0x97: {  	[tilespmem:s30], [sflag:$0x3] =	stream.linear.gather [hbm4b:s10+s14], $0x2800, $0x38;
	[tilespmem:$0x19100] =	vst v63  }
0x98: {  	_ = 	snop  }
0x99: {  	[tilespmem:s31], [sflag:$0x4] =	stream.linear.gather [hbm4b:s13+s14], $0x80, $0x38;
	[tilespmem:$0x19100] =	vst v63  }
0x9a: {  	_ =	swait.ge [sflag:s8], $0x2800  }
0x9b: {  	[sflag:s8] =	ssyncset.done $0x0  }
0x9c: {  	[sflag:s8] =	ssyncadd.s32 $0xFFFFD800  }
0x9d: {  	_ =	swait.ge [sflag:s0], $0x80  }
0x9e: {  	[sflag:s0] =	ssyncset.done $0x0  }
0x9f: {  	[sflag:s0] =	ssyncadd.s32 $0xFFFFFF80  }
0xa0: {  	[spmem:s11] =	stream.indirect.scatter.add.f32 [tilespmem:s14], [sflag:$0x5], $0x50, s29, s1, $0xb8;
	[tilespmem:$0x19100] =	vst v63  }
0xa1: {  	_ =	swait.ge [sflag:s2], $0x2800  }
0xa2: {  	[sflag:s2] =	ssyncset.done $0x0  }
0xa3: {  	[sflag:s2] =	ssyncadd.s32 $0xFFFFD800  }
0xa4: {  	s26 =	sadd.s32 $0x3, s9;
	_ =	swait.ge [sflag:s3], $0x80  }
0xa5: {  	p1 =	sge.u32 s26, s12;
	[sflag:s3] =	ssyncset.done $0x0  }
0xa6: {  	s5 =	simm.s32 @!p1 $0x5;
	[sflag:s3] =	ssyncadd.s32 $0xFFFFFF80  }
0xa7: {  	[spmem:s11] =	stream.indirect.scatter.add.f32 [tilespmem:s30], [sflag:$0x6], $0x50, s31, s1, $0xb8;
	[tilespmem:$0x19100] =	vst v63  }
0xa8: {  	_ =	swait.ge @!p1 [sflag:s5], $0x2800  }
0xa9: {  	[sflag:s5] =	ssyncset.done @!p1 $0x0  }
0xaa: {  	s9 =	sadd.s32 @!p1 $0x500, s10;
	[sflag:s5] =	ssyncadd.s32 @!p1 $0xFFFFD800;
	s5 =	simm.s32 @!p1 $0x0  }
0xab: {  	[tilespmem:s5], [sflag:$0x1] =	stream.linear.gather @!p1 [hbm4b:s9+s5], $0x2800, $0x38;
	[tilespmem:$0x19100] =	vst v63  }
0xac: {  	s9 =	simm.s32 @!p1 $0x5000  }
0xad: {  	[tilespmem:s9], [sflag:$0x2] =	stream.linear.gather @!p1 [hbm4b:s7+s5], $0x80, $0x38;
	[tilespmem:$0x19100] =	vst v63  }
0xae: {  	s7 =	simm.s32 $0x6  }
0xaf: {  	_ =	swait.ge [sflag:s7], $0x2800  }
0xb0: {  	[sflag:s7] =	ssyncset.done $0x0  }
0xb1: {  	s5 =	simm.s32 @!p0 $0x1;
	[sflag:s7] =	ssyncadd.s32 $0xFFFFD800  }
0xb2: {  	_ =	swait.ge @!p0 [sflag:s5], $0x2800  }
0xb3: {  	[sflag:s5] =	ssyncset.done @!p0 $0x0  }
0xb4: {  	[sflag:s5] =	ssyncadd.s32 @!p0 $0xFFFFD800;
	s5 =	simm.s32 @!p0 $0x2  }
0xb5: {  	_ =	swait.ge @!p0 [sflag:s5], $0x80  }
0xb6: {  	s9 =	simm.s32 @!p0 $0x0;
	[sflag:s5] =	ssyncset.done @!p0 $0x0  }
0xb7: {  	s7 =	simm.s32 @!p0 $0x5000;
	[sflag:s5] =	ssyncadd.s32 @!p0 $0xFFFFFF80;
	s5 =	simm.s32 @!p0 $0x80  }
0xb8: {  	[spmem:s11] =	stream.indirect.scatter.add.f32 @!p0 [tilespmem:s9], [sflag:$0x5], $0x50, s7, s5, $0xb8;
	[tilespmem:$0x19100] =	vst v63  }
0xb9: {  	s9 =	simm.s32 $0x5  }
0xba: {  	_ =	swait.ge [sflag:s9], $0x2800  }
0xbb: {  	[sflag:s9] =	ssyncset.done $0x0  }
0xbc: {  	s10 =	stileid.u32;
	[sflag:s9] =	ssyncadd.s32 $0xFFFFD800  }
0xbd: {  	s5 =	sshll.u32 s10, $0x6;
	[bflag:$0x0] =	sbarrier.arrive $0xFFFF  }
0xbe: {  	s13 =	sshrl.u32 s18, $0x3;
	s5 =	sor.u32 $0x1C07, s5;
	s15 =	rddreg [dreg:$0x5]  }
0xbf: {  	[hbm:s15], [sflag:s5] =	dma.local [spmem:s13], $0x500  }
0xc0: {  	_ =	swait.ge [sflag:s28], $0x500  }
0xc1: {  	[sflag:s28] =	ssyncset.done $0x0  }
0xc2: {  	s16 =	sshrl.u32 s19, $0x3;
	s17 =	rddreg [dreg:$0x6];
	[sflag:s28] =	ssyncadd.s32 $0xFFFFFB00  }
0xc3: {  	[hbm:s17], [sflag:s5] =	dma.local [spmem:s16], $0x500  }
0xc4: {  	_ =	swait.ge [sflag:s28], $0x500  }
0xc5: {  	s10 =	smov.u32 s18;
	s18 =	sshrl.u32 s20, $0x3;
	[sflag:s28] =	ssyncset.done $0x0  }
0xc6: {  	s13 =	smov.u32 s19;
	s19 =	rddreg [dreg:$0x7];
	[sflag:s28] =	ssyncadd.s32 $0xFFFFFB00  }
0xc7: {  	[hbm:s19], [sflag:s5] =	dma.local [spmem:s18], $0x500  }
0xc8: {  	_ =	swait.ge [sflag:s28], $0x500  }
0xc9: {  	s15 =	smov.u32 s20;
	s20 =	sshrl.u32 s21, $0x3;
	[sflag:s28] =	ssyncset.done $0x0  }
0xca: {  	s16 =	smov.u32 s21;
	s21 =	rddreg [dreg:$0x8];
	[sflag:s28] =	ssyncadd.s32 $0xFFFFFB00  }
0xcb: {  	[hbm:s21], [sflag:s5] =	dma.local [spmem:s20], $0x500  }
0xcc: {  	_ =	swait.ge [sflag:s28], $0x500  }
0xcd: {  	s17 =	smov.u32 s22;
	[sflag:s28] =	ssyncset.done $0x0  }
0xce: {  	s22 =	sshrl.u32 s22, $0x3;
	s23 =	rddreg [dreg:$0x9];
	[sflag:s28] =	ssyncadd.s32 $0xFFFFFB00  }
0xcf: {  	[hbm:s23], [sflag:s5] =	dma.local [spmem:s22], $0x500  }
0xd0: {  	_ =	swait.ge [sflag:s28], $0x500  }
0xd1: {  	s23 =	smov.u32 s25;
	[sflag:s28] =	ssyncset.done $0x0  }
0xd2: {  	s25 =	sshrl.u32 s25, $0x3;
	s26 =	rddreg [dreg:$0xa];
	[sflag:s28] =	ssyncadd.s32 $0xFFFFFB00  }
0xd3: {  	[hbm:s26], [sflag:s5] =	dma.local [spmem:s25], $0x500  }
0xd4: {  	_ =	swait.ge [sflag:s28], $0x500  }
0xd5: {  	[sflag:s28] =	ssyncset.done $0x0  }
0xd6: {  	s18 =	sshrl.u32 s4, $0x3;
	s19 =	rddreg [dreg:$0xb];
	[sflag:s28] =	ssyncadd.s32 $0xFFFFFB00  }
0xd7: {  	[hbm:s19], [sflag:s5] =	dma.local [spmem:s18], $0x500  }
0xd8: {  	_ =	swait.ge [sflag:s28], $0x500  }
0xd9: {  	[sflag:s28] =	ssyncset.done $0x0;
	s20 =	rddreg [dreg:$0xe]  }
0xda: {  	s22 =	rddreg [dreg:$0xc];
	[sflag:s28] =	ssyncadd.s32 $0xFFFFFB00;
	s21 =	sshrl.u32 s20, $0x3  }
0xdb: {  	[hbm:s22], [sflag:s5] =	dma.local [spmem:s21], $0x500  }
0xdc: {  	_ =	swait.ge [sflag:s28], $0x500  }
0xdd: {  	s6 =	sadd.s32 $0x1, s6;
	s25 =	rddreg [dreg:$0xf]  }
0xde: {  	p1 =	sne.s32 s6, s25  }
.Ltmp2:
0xdf: {  	_ = 	snop;
	(pc) =	sbr.rel @p1 .LBB2_1-.Ltmp2, $3  }
0xe0: {  	_ =	sdelay $0x1  }
0xe1: {  	[sflag:s28] =	ssyncset.done $0x0  }
0xe2: {  	s26 =	smov.u32 s4;
	[sflag:s28] =	ssyncadd.s32 $0xFFFFFB00  }
0xe3: {  	_ =	sfence.sel $0x180000  }
0xe4: {  	[bflag:$0x0] =	sbarrier.arrive $0xFFFF  }
0xe5: {  	_ =	strace $0x90000047  }
0xe6: {  	s0 =	stileid.u32;
	[bflag:$0x2] =	sbarrier.arrive $0xFFFF  }
0xe7: {  	p0 =	sne.s32 s0, $0x0;
	s0 =	rddreg [dreg:$0x3]  }
0xe8: {  	s0 =	sadd.s32 @!p0 $0x100000, s0  }
0xe9: {  	[sflag:s0] =	ssyncadd.tile.s32 @!p0 $0x1;
	_ =	shalt  }
.Lfunc_end2:
_tile_overlayer_lowered:
.L_overlay_start_2:
0xea: {  	(tag) =	ssettag $0x2  }
0xeb: {  	s0 =	rddreg [dreg:$0x0];
	s2 =	stileid.u32  }
0xec: {  	s1 =	rddreg [dreg:$0x1];
	p0 =	sne.s32 s2, $0x0  }
0xed: {  	s3 =	rddreg [dreg:$0x2];
	[bflag:$0x3] =	sbarrier.arrive $0xFFFF;
	s2 =	simm.s32 @!p0 $0x1C07  }
0xee: {  	[timem:s3], [sflag:s2] =	dma.local @!p0 [hbm:s0], s1  }
0xef: {  	s0 =	simm.s32 @!p0 $0x7  }
0xf0: {  	_ =	swait.ge @!p0 [sflag:s0], s1  }
0xf1: {  	s1 =	ssub.s32 @!p0 $0x0, s1;
	[sflag:s0] =	ssyncset.done @!p0 $0x0  }
0xf2: {  	[sflag:s0] =	ssyncadd.s32 @!p0 s1  }
0xf3: {  	[bflag:$0x3] =	sbarrier.arrive $0xFFFF  }
0xf4: {  	_ =	shalt  }

</sc_bundles>
